<compile_context>
chip_gen: v7x
topology: tpu7x:2x2x1
jax: 0.10.2.dev20260603
libtpu: 0.0.44.dev20260713+nightly
codegen_flags: <defaults>
</compile_context>

<pallas_src>
import functools

import jax
import jax.numpy as jnp
from jax import lax
from jax.experimental import pallas as pl
from jax.experimental.pallas import tpu as pltpu
from jax.experimental.pallas import tpu_sc as plsc

_B = 16384
_NC = 2
_NS = 16
_NW = _NC * _NS
_BPW = _B // _NW
_L = 16
_NCHUNK = _BPW // _L
_NGROUP = 2
_GPC = _NCHUNK // _NGROUP

_LN2 = 0.6931471805599453
_SQRT2 = 1.4142135623730951


def _log_f32(x):
    bits = lax.bitcast_convert_type(x, jnp.int32)
    e = lax.shift_right_arithmetic(bits, 23) - 127
    mbits = jnp.bitwise_or(jnp.bitwise_and(bits, 0x007FFFFF), 0x3F800000)
    m = lax.bitcast_convert_type(mbits, jnp.float32)
    big = m > _SQRT2
    m = jnp.where(big, m * 0.5, m)
    e = jnp.where(big, e + 1, e)
    t = m - 1.0
    p = 0.114484355
    p = p * t - 0.18627697
    p = p * t + 0.20611785
    p = p * t - 0.2491121
    p = p * t + 0.33304814
    p = p * t - 0.50001293
    p = p * t + 1.0000031
    p = p * t + 3.342327e-08
    return e.astype(jnp.float32) * _LN2 + p


def _sc_body(vt_hbm, af_hbm, i0_hbm, i1_hbm, i2_hbm, i3_hbm, lp_hbm, snv_hbm,
             out_hbm, vt_v, af_v, i0_v, i1_v, i2_v, i3_v, lp_v, snv_v, out_v,
             sem, out_sem):
    wid = lax.axis_index("s") * _NC + lax.axis_index("c")
    base = wid * _BPW
    rows_sl = pl.ds(base, _BPW)
    copies = [
        pltpu.async_copy(vt_hbm.at[rows_sl], vt_v, sem),
        pltpu.async_copy(af_hbm.at[rows_sl], af_v, sem),
        pltpu.async_copy(i0_hbm.at[rows_sl], i0_v, sem),
        pltpu.async_copy(i1_hbm.at[rows_sl], i1_v, sem),
        pltpu.async_copy(i2_hbm.at[rows_sl], i2_v, sem),
        pltpu.async_copy(i3_hbm.at[rows_sl], i3_v, sem),
        pltpu.async_copy(lp_hbm, lp_v, sem),
        pltpu.async_copy(snv_hbm, snv_v, sem),
    ]
    for cp in copies:
        cp.wait()

    iota = lax.iota(jnp.int32, _L)

    def chunk(j):
        sl = pl.ds(j * _L, _L)
        rows = j * _L + iota
        vt = vt_v[sl]
        af = af_v[sl]
        flat = ((i0_v[sl] * 5 + i1_v[sl]) * 5 + i2_v[sl]) * 5 + i3_v[sl]
        snv = plsc.load_gather(snv_v, [flat])
        zero = jnp.zeros((_L,), jnp.float32)
        c0 = jnp.zeros((_L,), jnp.int32)
        lp0 = plsc.load_gather(lp_v, [vt, c0])
        lp1 = plsc.load_gather(lp_v, [vt, c0 + 1])
        lp4 = plsc.load_gather(lp_v, [vt, c0 + 4])
        lp0 = jnp.where(vt == 0, snv, lp0)
        lp3 = _log_f32(af * (2.0 - af))
        m = jnp.maximum(jnp.maximum(jnp.maximum(lp0, lp1), jnp.maximum(lp3, lp4)),
                        zero)
        s = (jnp.exp(lp0 - m) + jnp.exp(lp1 - m) + jnp.exp(zero - m)
             + jnp.exp(lp3 - m) + jnp.exp(lp4 - m))
        logz = m + _log_f32(s)
        plsc.store_scatter(out_v, [rows, c0], lp0 - logz)
        plsc.store_scatter(out_v, [rows, c0 + 1], lp1 - logz)
        plsc.store_scatter(out_v, [rows, c0 + 2], zero - logz)
        plsc.store_scatter(out_v, [rows, c0 + 3], lp3 - logz)
        plsc.store_scatter(out_v, [rows, c0 + 4], lp4 - logz)

    rpg = _GPC * _L
    out_copies = []
    for g in range(_NGROUP):
        plsc.parallel_loop(g * _GPC, (g + 1) * _GPC, unroll=1)(chunk)
        out_copies.append(pltpu.async_copy(
            out_v.at[pl.ds(g * rpg, rpg), :],
            out_hbm.at[pl.ds(base + g * rpg, rpg), :], out_sem))
    for cp in out_copies:
        cp.wait()


@functools.lru_cache(maxsize=None)
def _sc_call():
  return pl.kernel(
    _sc_body,
    out_type=jax.ShapeDtypeStruct((_B, 5), jnp.float32),
    mesh=plsc.VectorSubcoreMesh(core_axis_name="c", subcore_axis_name="s",
                                num_cores=_NC, num_subcores=_NS),
    compiler_params=pltpu.CompilerParams(needs_layout_passes=False),
    scratch_types=[
        pltpu.VMEM((_BPW,), jnp.int32),
        pltpu.VMEM((_BPW,), jnp.float32),
        pltpu.VMEM((_BPW,), jnp.int32),
        pltpu.VMEM((_BPW,), jnp.int32),
        pltpu.VMEM((_BPW,), jnp.int32),
        pltpu.VMEM((_BPW,), jnp.int32),
        pltpu.VMEM((5, 5), jnp.float32),
        pltpu.VMEM((625,), jnp.float32),
        pltpu.VMEM((_BPW, 5), jnp.float32),
        pltpu.SemaphoreType.DMA,
        pltpu.SemaphoreType.DMA,
    ],
  )


def kernel(variant_types_b, allele_frequencies_b, haplotypes_bs, log_priors_vc,
           somatic_snv_log_priors_rrra):
    seq_length = haplotypes_bs.shape[-1] // 2
    rc = (seq_length - 1) // 2
    return _sc_call()(
        variant_types_b.astype(jnp.int32),
        allele_frequencies_b,
        haplotypes_bs[:, rc - 1].astype(jnp.int32),
        haplotypes_bs[:, rc].astype(jnp.int32),
        haplotypes_bs[:, rc + 1].astype(jnp.int32),
        haplotypes_bs[:, rc + seq_length].astype(jnp.int32),
        log_priors_vc,
        somatic_snv_log_priors_rrra.reshape(625),
    )

# --- scband reference (transcript-rebuilt; emitter-appended) ---
"""Pipeline reference for scband-posterior-model-priors-32195074851082 (READ-ONLY COPY).

The authoritative reference and input builder live on the scoring server;
editing this copy changes nothing except your own understanding.
"""

import jax, jax.numpy as jnp
import numpy as np

# Call enum indices
SOMATIC, ARTIFACT, SEQ_ERROR, GERMLINE, NORMAL_ARTIFACT = 0, 1, 2, 3, 4
# Variation enum: SNV = 0 (5 variation types total)
SNV = 0
VARIANT_LOG_PRIOR = -10.0
ARTIFACT_LOG_PRIOR = -3.0
NO_GERMLINE_MODE = False


def setup_inputs(seed: int = 0) -> dict:
    key = jax.random.key(seed)
    k1, k2, k3 = jax.random.split(key, 3)
    B = 16384
    seq_length = 51
    variant_types_b = jax.random.randint(k1, (B,), 0, 5)
    allele_frequencies_b = jax.random.uniform(k2, (B,), minval=1e-3, maxval=0.5, dtype=jnp.float32)
    haplotypes_bs = jax.random.randint(k3, (B, 2 * seq_length), 0, 5)
    # learned parameters, initialized exactly as in __init__
    log_priors_vc = jnp.zeros((5, 5), dtype=jnp.float32)
    log_priors_vc = log_priors_vc.at[:, SOMATIC].set(VARIANT_LOG_PRIOR)
    log_priors_vc = log_priors_vc.at[:, ARTIFACT].set(ARTIFACT_LOG_PRIOR)
    log_priors_vc = log_priors_vc.at[:, GERMLINE].set(-9999.0 if NO_GERMLINE_MODE else 0.0)
    log_priors_vc = log_priors_vc.at[:, NORMAL_ARTIFACT].set(ARTIFACT_LOG_PRIOR)
    somatic_snv_log_priors_rrra = VARIANT_LOG_PRIOR * jnp.ones((5, 5, 5, 5), dtype=jnp.float32)
    return {
        "variant_types_b": variant_types_b,
        "allele_frequencies_b": allele_frequencies_b,
        "haplotypes_bs": haplotypes_bs,
        "log_priors_vc": log_priors_vc,
        "somatic_snv_log_priors_rrra": somatic_snv_log_priors_rrra,
    }


def _ref_contexts_and_alt_bases(haplotypes_bs):
    seq_length = haplotypes_bs.shape[-1] // 2
    ref_center_idx = (seq_length - 1) // 2
    alt_center_idx = ref_center_idx + seq_length
    idx0 = haplotypes_bs[:, ref_center_idx - 1]
    idx1 = haplotypes_bs[:, ref_center_idx]
    idx2 = haplotypes_bs[:, ref_center_idx + 1]
    idx3 = haplotypes_bs[:, alt_center_idx]
    return idx0, idx1, idx2, idx3


def reference(variant_types_b, allele_frequencies_b, haplotypes_bs, log_priors_vc, somatic_snv_log_priors_rrra):
    # log_priors_bc(batch): table gather by variant type (embedding lookup)
    is_snv_b = (variant_types_b == SNV).astype(jnp.float32)
    lp_bc = jnp.take(log_priors_vc, variant_types_b, axis=0)
    lp_bc = lp_bc.at[:, SEQ_ERROR].set(0.0)
    if NO_GERMLINE_MODE:
        lp_bc = lp_bc.at[:, GERMLINE].set(-9999.0)
    else:
        lp_bc = lp_bc.at[:, GERMLINE].set(jnp.log(1.0 - jnp.square(1.0 - allele_frequencies_b)))
    # context-dependent SNV priors: 4-way gather into the 5x5x5x5 prior table
    idx0, idx1, idx2, idx3 = _ref_contexts_and_alt_bases(haplotypes_bs)
    snv_prior_b = somatic_snv_log_priors_rrra[idx0, idx1, idx2, idx3]
    lp_bc = lp_bc.at[:, SOMATIC].set(is_snv_b * snv_prior_b + (1.0 - is_snv_b) * lp_bc[:, SOMATIC])
    return jax.nn.log_softmax(lp_bc, axis=-1)

if __name__ == "__main__":
    import jax
    _d = setup_inputs()
    print(jax.jit(kernel)(*tuple(_d.values())))

</pallas_src>

<mosaic_0001>
#map = affine_map<(d0, d1) -> (0)>
#map1 = affine_map<(d0, d1) -> (0, 0)>
module attributes {stable_mosaic.version = 14 : i64} {
  func.func @_sc_body(%arg0: i32, %arg1: i32, %arg2: memref<16384xi32, #tpu.memory_space<hbm>>, %arg3: memref<16384xf32, #tpu.memory_space<hbm>>, %arg4: memref<16384xi32, #tpu.memory_space<hbm>>, %arg5: memref<16384xi32, #tpu.memory_space<hbm>>, %arg6: memref<16384xi32, #tpu.memory_space<hbm>>, %arg7: memref<16384xi32, #tpu.memory_space<hbm>>, %arg8: memref<5x5xf32, #tpu.memory_space<hbm>>, %arg9: memref<625xf32, #tpu.memory_space<hbm>>, %arg10: memref<16384x5xf32, #tpu.memory_space<hbm>>, %arg11: memref<512xi32, #tpu.memory_space<vmem>>, %arg12: memref<512xf32, #tpu.memory_space<vmem>>, %arg13: memref<512xi32, #tpu.memory_space<vmem>>, %arg14: memref<512xi32, #tpu.memory_space<vmem>>, %arg15: memref<512xi32, #tpu.memory_space<vmem>>, %arg16: memref<512xi32, #tpu.memory_space<vmem>>, %arg17: memref<5x5xf32, #tpu.memory_space<vmem>>, %arg18: memref<625xf32, #tpu.memory_space<vmem>>, %arg19: memref<512x5xf32, #tpu.memory_space<vmem>>, %arg20: memref<!tpu.dma_semaphore, #tpu.memory_space<semaphore_mem>>, %arg21: memref<!tpu.dma_semaphore, #tpu.memory_space<semaphore_mem>>) attributes {dimension_semantics = [#tpu.dimension_semantics<core_parallel>, #tpu.dimension_semantics<subcore_parallel>], iteration_bounds = array<i64: 2, 16>, scalar_prefetch = 0 : i64, scratch_operands = 11 : i64, tpu.core_type = #tpu.core_type<sc_vector_subcore>, window_params = [{transform_indices = #map}, {transform_indices = #map}, {transform_indices = #map}, {transform_indices = #map}, {transform_indices = #map}, {transform_indices = #map}, {transform_indices = #map1}, {transform_indices = #map}, {transform_indices = #map1}]} {
    %mul3A = arith.constant 2 : i32
    %mul3A_0 = arith.muli %arg1, %mul3A : i32
    %add3A = arith.addi %mul3A_0, %arg0 : i32
    %mul3A_1 = arith.constant 512 : i32
    %mul3A_2 = arith.muli %add3A, %mul3A_1 : i32
    %dma_start3A = tpu.memref_slice %arg2[%mul3A_2] : memref<16384xi32, #tpu.memory_space<hbm>> -> memref<512xi32, #tpu.memory_space<hbm>>
    %dma_start3A_3 = tpu.memref_slice %arg2[%mul3A_2] : memref<16384xi32, #tpu.memory_space<hbm>> -> memref<512xi32, #tpu.memory_space<hbm>>
    tpu.enqueue_dma source(%dma_start3A_3 : memref<512xi32, #tpu.memory_space<hbm>>) target(%arg11 : memref<512xi32, #tpu.memory_space<vmem>>) target_semaphore(%arg20 : memref<!tpu.dma_semaphore, #tpu.memory_space<semaphore_mem>>)
    %dma_start3A_4 = tpu.memref_slice %arg3[%mul3A_2] : memref<16384xf32, #tpu.memory_space<hbm>> -> memref<512xf32, #tpu.memory_space<hbm>>
    %dma_start3A_5 = tpu.memref_slice %arg3[%mul3A_2] : memref<16384xf32, #tpu.memory_space<hbm>> -> memref<512xf32, #tpu.memory_space<hbm>>
    tpu.enqueue_dma source(%dma_start3A_5 : memref<512xf32, #tpu.memory_space<hbm>>) target(%arg12 : memref<512xf32, #tpu.memory_space<vmem>>) target_semaphore(%arg20 : memref<!tpu.dma_semaphore, #tpu.memory_space<semaphore_mem>>)
    %dma_start3A_6 = tpu.memref_slice %arg4[%mul3A_2] : memref<16384xi32, #tpu.memory_space<hbm>> -> memref<512xi32, #tpu.memory_space<hbm>>
    %dma_start3A_7 = tpu.memref_slice %arg4[%mul3A_2] : memref<16384xi32, #tpu.memory_space<hbm>> -> memref<512xi32, #tpu.memory_space<hbm>>
    tpu.enqueue_dma source(%dma_start3A_7 : memref<512xi32, #tpu.memory_space<hbm>>) target(%arg13 : memref<512xi32, #tpu.memory_space<vmem>>) target_semaphore(%arg20 : memref<!tpu.dma_semaphore, #tpu.memory_space<semaphore_mem>>)
    %dma_start3A_8 = tpu.memref_slice %arg5[%mul3A_2] : memref<16384xi32, #tpu.memory_space<hbm>> -> memref<512xi32, #tpu.memory_space<hbm>>
    %dma_start3A_9 = tpu.memref_slice %arg5[%mul3A_2] : memref<16384xi32, #tpu.memory_space<hbm>> -> memref<512xi32, #tpu.memory_space<hbm>>
    tpu.enqueue_dma source(%dma_start3A_9 : memref<512xi32, #tpu.memory_space<hbm>>) target(%arg14 : memref<512xi32, #tpu.memory_space<vmem>>) target_semaphore(%arg20 : memref<!tpu.dma_semaphore, #tpu.memory_space<semaphore_mem>>)
    %dma_start3A_10 = tpu.memref_slice %arg6[%mul3A_2] : memref<16384xi32, #tpu.memory_space<hbm>> -> memref<512xi32, #tpu.memory_space<hbm>>
    %dma_start3A_11 = tpu.memref_slice %arg6[%mul3A_2] : memref<16384xi32, #tpu.memory_space<hbm>> -> memref<512xi32, #tpu.memory_space<hbm>>
    tpu.enqueue_dma source(%dma_start3A_11 : memref<512xi32, #tpu.memory_space<hbm>>) target(%arg15 : memref<512xi32, #tpu.memory_space<vmem>>) target_semaphore(%arg20 : memref<!tpu.dma_semaphore, #tpu.memory_space<semaphore_mem>>)
    %dma_start3A_12 = tpu.memref_slice %arg7[%mul3A_2] : memref<16384xi32, #tpu.memory_space<hbm>> -> memref<512xi32, #tpu.memory_space<hbm>>
    %dma_start3A_13 = tpu.memref_slice %arg7[%mul3A_2] : memref<16384xi32, #tpu.memory_space<hbm>> -> memref<512xi32, #tpu.memory_space<hbm>>
    tpu.enqueue_dma source(%dma_start3A_13 : memref<512xi32, #tpu.memory_space<hbm>>) target(%arg16 : memref<512xi32, #tpu.memory_space<vmem>>) target_semaphore(%arg20 : memref<!tpu.dma_semaphore, #tpu.memory_space<semaphore_mem>>)
    tpu.enqueue_dma source(%arg8 : memref<5x5xf32, #tpu.memory_space<hbm>>) target(%arg17 : memref<5x5xf32, #tpu.memory_space<vmem>>) target_semaphore(%arg20 : memref<!tpu.dma_semaphore, #tpu.memory_space<semaphore_mem>>)
    tpu.enqueue_dma source(%arg9 : memref<625xf32, #tpu.memory_space<hbm>>) target(%arg18 : memref<625xf32, #tpu.memory_space<vmem>>) target_semaphore(%arg20 : memref<!tpu.dma_semaphore, #tpu.memory_space<semaphore_mem>>)
    %dma_wait3A = tpu.memref_slice %arg2[%mul3A_2] : memref<16384xi32, #tpu.memory_space<hbm>> -> memref<512xi32, #tpu.memory_space<hbm>>
    %dma_wait3A_14 = tpu.memref_slice %arg2[%mul3A_2] : memref<16384xi32, #tpu.memory_space<hbm>> -> memref<512xi32, #tpu.memory_space<hbm>>
    tpu.wait_dma2 semaphore(%arg20 : memref<!tpu.dma_semaphore, #tpu.memory_space<semaphore_mem>>) src(%dma_wait3A_14 : memref<512xi32, #tpu.memory_space<hbm>>) dst(%arg11 : memref<512xi32, #tpu.memory_space<vmem>>)
    %dma_wait3A_15 = tpu.memref_slice %arg3[%mul3A_2] : memref<16384xf32, #tpu.memory_space<hbm>> -> memref<512xf32, #tpu.memory_space<hbm>>
    %dma_wait3A_16 = tpu.memref_slice %arg3[%mul3A_2] : memref<16384xf32, #tpu.memory_space<hbm>> -> memref<512xf32, #tpu.memory_space<hbm>>
    tpu.wait_dma2 semaphore(%arg20 : memref<!tpu.dma_semaphore, #tpu.memory_space<semaphore_mem>>) src(%dma_wait3A_16 : memref<512xf32, #tpu.memory_space<hbm>>) dst(%arg12 : memref<512xf32, #tpu.memory_space<vmem>>)
    %dma_wait3A_17 = tpu.memref_slice %arg4[%mul3A_2] : memref<16384xi32, #tpu.memory_space<hbm>> -> memref<512xi32, #tpu.memory_space<hbm>>
    %dma_wait3A_18 = tpu.memref_slice %arg4[%mul3A_2] : memref<16384xi32, #tpu.memory_space<hbm>> -> memref<512xi32, #tpu.memory_space<hbm>>
    tpu.wait_dma2 semaphore(%arg20 : memref<!tpu.dma_semaphore, #tpu.memory_space<semaphore_mem>>) src(%dma_wait3A_18 : memref<512xi32, #tpu.memory_space<hbm>>) dst(%arg13 : memref<512xi32, #tpu.memory_space<vmem>>)
    %dma_wait3A_19 = tpu.memref_slice %arg5[%mul3A_2] : memref<16384xi32, #tpu.memory_space<hbm>> -> memref<512xi32, #tpu.memory_space<hbm>>
    %dma_wait3A_20 = tpu.memref_slice %arg5[%mul3A_2] : memref<16384xi32, #tpu.memory_space<hbm>> -> memref<512xi32, #tpu.memory_space<hbm>>
    tpu.wait_dma2 semaphore(%arg20 : memref<!tpu.dma_semaphore, #tpu.memory_space<semaphore_mem>>) src(%dma_wait3A_20 : memref<512xi32, #tpu.memory_space<hbm>>) dst(%arg14 : memref<512xi32, #tpu.memory_space<vmem>>)
    %dma_wait3A_21 = tpu.memref_slice %arg6[%mul3A_2] : memref<16384xi32, #tpu.memory_space<hbm>> -> memref<512xi32, #tpu.memory_space<hbm>>
    %dma_wait3A_22 = tpu.memref_slice %arg6[%mul3A_2] : memref<16384xi32, #tpu.memory_space<hbm>> -> memref<512xi32, #tpu.memory_space<hbm>>
    tpu.wait_dma2 semaphore(%arg20 : memref<!tpu.dma_semaphore, #tpu.memory_space<semaphore_mem>>) src(%dma_wait3A_22 : memref<512xi32, #tpu.memory_space<hbm>>) dst(%arg15 : memref<512xi32, #tpu.memory_space<vmem>>)
    %dma_wait3A_23 = tpu.memref_slice %arg7[%mul3A_2] : memref<16384xi32, #tpu.memory_space<hbm>> -> memref<512xi32, #tpu.memory_space<hbm>>
    %dma_wait3A_24 = tpu.memref_slice %arg7[%mul3A_2] : memref<16384xi32, #tpu.memory_space<hbm>> -> memref<512xi32, #tpu.memory_space<hbm>>
    tpu.wait_dma2 semaphore(%arg20 : memref<!tpu.dma_semaphore, #tpu.memory_space<semaphore_mem>>) src(%dma_wait3A_24 : memref<512xi32, #tpu.memory_space<hbm>>) dst(%arg16 : memref<512xi32, #tpu.memory_space<vmem>>)
    tpu.wait_dma2 semaphore(%arg20 : memref<!tpu.dma_semaphore, #tpu.memory_space<semaphore_mem>>) src(%arg8 : memref<5x5xf32, #tpu.memory_space<hbm>>) dst(%arg17 : memref<5x5xf32, #tpu.memory_space<vmem>>)
    tpu.wait_dma2 semaphore(%arg20 : memref<!tpu.dma_semaphore, #tpu.memory_space<semaphore_mem>>) src(%arg9 : memref<625xf32, #tpu.memory_space<hbm>>) dst(%arg18 : memref<625xf32, #tpu.memory_space<vmem>>)
    %iota3A = tpu.iota {dimensions = array<i32: 0>} : vector<16xi32>
    %parallel_loop3A = arith.constant 0 : i32
    %parallel_loop3A_25 = arith.constant 16 : i32
    %parallel_loop3A_26 = arith.constant 1 : i32
    scf.for %parallel_loop3A_74 = %parallel_loop3A to %parallel_loop3A_25 step %parallel_loop3A_26  : i32 {
      %parallel_loop3A_75 = arith.constant 16 : i32
      %parallel_loop3A_76 = arith.muli %parallel_loop3A_74, %parallel_loop3A_75 : i32
      %parallel_loop3A_77 = arith.constant 16 : i32
      %parallel_loop3A_78 = arith.muli %parallel_loop3A_74, %parallel_loop3A_77 : i32
      %parallel_loop3A_79 = vector.broadcast %parallel_loop3A_78 : i32 to vector<16xi32>
      %parallel_loop3A_80 = arith.addi %parallel_loop3A_79, %iota3A : vector<16xi32>
      %parallel_loop3A_81 = arith.index_cast %parallel_loop3A_76 : i32 to index
      %parallel_loop3A_82 = tpu.vector_load %arg11[%parallel_loop3A_81] {strides = array<i32>} : memref<512xi32, #tpu.memory_space<vmem>>, vector<16xi32>,
      %parallel_loop3A_83 = arith.index_cast %parallel_loop3A_76 : i32 to index
      %parallel_loop3A_84 = tpu.vector_load %arg12[%parallel_loop3A_83] {strides = array<i32>} : memref<512xf32, #tpu.memory_space<vmem>>, vector<16xf32>,
      %parallel_loop3A_85 = arith.index_cast %parallel_loop3A_76 : i32 to index
      %parallel_loop3A_86 = tpu.vector_load %arg13[%parallel_loop3A_85] {strides = array<i32>} : memref<512xi32, #tpu.memory_space<vmem>>, vector<16xi32>,
      %parallel_loop3A_87 = arith.constant 5 : i32
      %parallel_loop3A_88 = vector.broadcast %parallel_loop3A_87 : i32 to vector<16xi32>
      %parallel_loop3A_89 = arith.muli %parallel_loop3A_86, %parallel_loop3A_88 : vector<16xi32>
      %parallel_loop3A_90 = arith.index_cast %parallel_loop3A_76 : i32 to index
      %parallel_loop3A_91 = tpu.vector_load %arg14[%parallel_loop3A_90] {strides = array<i32>} : memref<512xi32, #tpu.memory_space<vmem>>, vector<16xi32>,
      %parallel_loop3A_92 = arith.addi %parallel_loop3A_89, %parallel_loop3A_91 : vector<16xi32>
      %parallel_loop3A_93 = arith.constant 5 : i32
      %parallel_loop3A_94 = vector.broadcast %parallel_loop3A_93 : i32 to vector<16xi32>
      %parallel_loop3A_95 = arith.muli %parallel_loop3A_92, %parallel_loop3A_94 : vector<16xi32>
      %parallel_loop3A_96 = arith.index_cast %parallel_loop3A_76 : i32 to index
      %parallel_loop3A_97 = tpu.vector_load %arg15[%parallel_loop3A_96] {strides = array<i32>} : memref<512xi32, #tpu.memory_space<vmem>>, vector<16xi32>,
      %parallel_loop3A_98 = arith.addi %parallel_loop3A_95, %parallel_loop3A_97 : vector<16xi32>
      %parallel_loop3A_99 = arith.constant 5 : i32
      %parallel_loop3A_100 = vector.broadcast %parallel_loop3A_99 : i32 to vector<16xi32>
      %parallel_loop3A_101 = arith.muli %parallel_loop3A_98, %parallel_loop3A_100 : vector<16xi32>
      %parallel_loop3A_102 = arith.index_cast %parallel_loop3A_76 : i32 to index
      %parallel_loop3A_103 = tpu.vector_load %arg16[%parallel_loop3A_102] {strides = array<i32>} : memref<512xi32, #tpu.memory_space<vmem>>, vector<16xi32>,
      %parallel_loop3A_104 = arith.addi %parallel_loop3A_101, %parallel_loop3A_103 : vector<16xi32>
      %parallel_loop3A_105 = tpu.vector_load_idx %arg18[%parallel_loop3A_104] : memref<625xf32, #tpu.memory_space<vmem>>[vector<16xi32>], vector<16xf32>,
      %parallel_loop3A_106 = arith.constant 0.000000e+00 : f32
      %parallel_loop3A_107 = vector.broadcast %parallel_loop3A_106 : f32 to vector<16xf32>
      %parallel_loop3A_108 = arith.constant 0 : i32
      %parallel_loop3A_109 = vector.broadcast %parallel_loop3A_108 : i32 to vector<16xi32>
      %parallel_loop3A_110 = tpu.vector_load_idx %arg17[%parallel_loop3A_82, %parallel_loop3A_109] : memref<5x5xf32, #tpu.memory_space<vmem>>[vector<16xi32>, vector<16xi32>], vector<16xf32>,
      %parallel_loop3A_111 = arith.constant 1 : i32
      %parallel_loop3A_112 = vector.broadcast %parallel_loop3A_111 : i32 to vector<16xi32>
      %parallel_loop3A_113 = arith.addi %parallel_loop3A_109, %parallel_loop3A_112 : vector<16xi32>
      %parallel_loop3A_114 = tpu.vector_load_idx %arg17[%parallel_loop3A_82, %parallel_loop3A_113] : memref<5x5xf32, #tpu.memory_space<vmem>>[vector<16xi32>, vector<16xi32>], vector<16xf32>,
      %parallel_loop3A_115 = arith.constant 4 : i32
      %parallel_loop3A_116 = vector.broadcast %parallel_loop3A_115 : i32 to vector<16xi32>
      %parallel_loop3A_117 = arith.addi %parallel_loop3A_109, %parallel_loop3A_116 : vector<16xi32>
      %parallel_loop3A_118 = tpu.vector_load_idx %arg17[%parallel_loop3A_82, %parallel_loop3A_117] : memref<5x5xf32, #tpu.memory_space<vmem>>[vector<16xi32>, vector<16xi32>], vector<16xf32>,
      %parallel_loop3A_119 = arith.constant 0 : i32
      %parallel_loop3A_120 = vector.broadcast %parallel_loop3A_119 : i32 to vector<16xi32>
      %parallel_loop3A_121 = arith.cmpi eq, %parallel_loop3A_82, %parallel_loop3A_120 : vector<16xi32>
      %parallel_loop3A_122 = arith.select %parallel_loop3A_121, %parallel_loop3A_105, %parallel_loop3A_110 : vector<16xi1>, vector<16xf32>
      %parallel_loop3A_123 = arith.constant 2.000000e+00 : f32
      %parallel_loop3A_124 = vector.broadcast %parallel_loop3A_123 : f32 to vector<16xf32>
      %parallel_loop3A_125 = arith.subf %parallel_loop3A_124, %parallel_loop3A_84 : vector<16xf32>
      %parallel_loop3A_126 = arith.mulf %parallel_loop3A_84, %parallel_loop3A_125 : vector<16xf32>
      %parallel_loop3A_127 = tpu.bitcast %parallel_loop3A_126 : vector<16xf32> -> vector<16xi32>
      %parallel_loop3A_128 = arith.constant 23 : i32
      %parallel_loop3A_129 = vector.broadcast %parallel_loop3A_128 : i32 to vector<16xi32>
      %parallel_loop3A_130 = arith.shrsi %parallel_loop3A_127, %parallel_loop3A_129 : vector<16xi32>
      %parallel_loop3A_131 = arith.constant 127 : i32
      %parallel_loop3A_132 = vector.broadcast %parallel_loop3A_131 : i32 to vector<16xi32>
      %parallel_loop3A_133 = arith.subi %parallel_loop3A_130, %parallel_loop3A_132 : vector<16xi32>
      %parallel_loop3A_134 = arith.constant 8388607 : i32
      %parallel_loop3A_135 = vector.broadcast %parallel_loop3A_134 : i32 to vector<16xi32>
      %parallel_loop3A_136 = arith.andi %parallel_loop3A_127, %parallel_loop3A_135 : vector<16xi32>
      %parallel_loop3A_137 = arith.constant 1065353216 : i32
      %parallel_loop3A_138 = vector.broadcast %parallel_loop3A_137 : i32 to vector<16xi32>
      %parallel_loop3A_139 = arith.ori %parallel_loop3A_136, %parallel_loop3A_138 : vector<16xi32>
      %parallel_loop3A_140 = tpu.bitcast %parallel_loop3A_139 : vector<16xi32> -> vector<16xf32>
      %parallel_loop3A_141 = arith.constant 1.41421354 : f32
      %parallel_loop3A_142 = vector.broadcast %parallel_loop3A_141 : f32 to vector<16xf32>
      %parallel_loop3A_143 = arith.cmpf ogt, %parallel_loop3A_140, %parallel_loop3A_142 : vector<16xf32>
      %parallel_loop3A_144 = arith.constant 5.000000e-01 : f32
      %parallel_loop3A_145 = vector.broadcast %parallel_loop3A_144 : f32 to vector<16xf32>
      %parallel_loop3A_146 = arith.mulf %parallel_loop3A_140, %parallel_loop3A_145 : vector<16xf32>
      %parallel_loop3A_147 = arith.select %parallel_loop3A_143, %parallel_loop3A_146, %parallel_loop3A_140 : vector<16xi1>, vector<16xf32>
      %parallel_loop3A_148 = arith.constant 1 : i32
      %parallel_loop3A_149 = vector.broadcast %parallel_loop3A_148 : i32 to vector<16xi32>
      %parallel_loop3A_150 = arith.addi %parallel_loop3A_133, %parallel_loop3A_149 : vector<16xi32>
      %parallel_loop3A_151 = arith.select %parallel_loop3A_143, %parallel_loop3A_150, %parallel_loop3A_133 : vector<16xi1>, vector<16xi32>
      %parallel_loop3A_152 = arith.constant 1.000000e+00 : f32
      %parallel_loop3A_153 = vector.broadcast %parallel_loop3A_152 : f32 to vector<16xf32>
      %parallel_loop3A_154 = arith.subf %parallel_loop3A_147, %parallel_loop3A_153 : vector<16xf32>
      %parallel_loop3A_155 = arith.constant 0.114484355 : f32
      %parallel_loop3A_156 = vector.broadcast %parallel_loop3A_155 : f32 to vector<16xf32>
      %parallel_loop3A_157 = arith.mulf %parallel_loop3A_156, %parallel_loop3A_154 : vector<16xf32>
      %parallel_loop3A_158 = arith.constant 0.186276972 : f32
      %parallel_loop3A_159 = vector.broadcast %parallel_loop3A_158 : f32 to vector<16xf32>
      %parallel_loop3A_160 = arith.subf %parallel_loop3A_157, %parallel_loop3A_159 : vector<16xf32>
      %parallel_loop3A_161 = arith.mulf %parallel_loop3A_160, %parallel_loop3A_154 : vector<16xf32>
      %parallel_loop3A_162 = arith.constant 0.206117854 : f32
      %parallel_loop3A_163 = vector.broadcast %parallel_loop3A_162 : f32 to vector<16xf32>
      %parallel_loop3A_164 = arith.addf %parallel_loop3A_161, %parallel_loop3A_163 : vector<16xf32>
      %parallel_loop3A_165 = arith.mulf %parallel_loop3A_164, %parallel_loop3A_154 : vector<16xf32>
      %parallel_loop3A_166 = arith.constant 0.249112099 : f32
      %parallel_loop3A_167 = vector.broadcast %parallel_loop3A_166 : f32 to vector<16xf32>
      %parallel_loop3A_168 = arith.subf %parallel_loop3A_165, %parallel_loop3A_167 : vector<16xf32>
      %parallel_loop3A_169 = arith.mulf %parallel_loop3A_168, %parallel_loop3A_154 : vector<16xf32>
      %parallel_loop3A_170 = arith.constant 0.333048135 : f32
      %parallel_loop3A_171 = vector.broadcast %parallel_loop3A_170 : f32 to vector<16xf32>
      %parallel_loop3A_172 = arith.addf %parallel_loop3A_169, %parallel_loop3A_171 : vector<16xf32>
      %parallel_loop3A_173 = arith.mulf %parallel_loop3A_172, %parallel_loop3A_154 : vector<16xf32>
      %parallel_loop3A_174 = arith.constant 0.500012934 : f32
      %parallel_loop3A_175 = vector.broadcast %parallel_loop3A_174 : f32 to vector<16xf32>
      %parallel_loop3A_176 = arith.subf %parallel_loop3A_173, %parallel_loop3A_175 : vector<16xf32>
      %parallel_loop3A_177 = arith.mulf %parallel_loop3A_176, %parallel_loop3A_154 : vector<16xf32>
      %parallel_loop3A_178 = arith.constant 1.0000031 : f32
      %parallel_loop3A_179 = vector.broadcast %parallel_loop3A_178 : f32 to vector<16xf32>
      %parallel_loop3A_180 = arith.addf %parallel_loop3A_177, %parallel_loop3A_179 : vector<16xf32>
      %parallel_loop3A_181 = arith.mulf %parallel_loop3A_180, %parallel_loop3A_154 : vector<16xf32>
      %parallel_loop3A_182 = arith.constant 3.34232695E-8 : f32
      %parallel_loop3A_183 = vector.broadcast %parallel_loop3A_182 : f32 to vector<16xf32>
      %parallel_loop3A_184 = arith.addf %parallel_loop3A_181, %parallel_loop3A_183 : vector<16xf32>
      %parallel_loop3A_185 = arith.sitofp %parallel_loop3A_151 : vector<16xi32> to vector<16xf32>
      %parallel_loop3A_186 = arith.constant 0.693147182 : f32
      %parallel_loop3A_187 = vector.broadcast %parallel_loop3A_186 : f32 to vector<16xf32>
      %parallel_loop3A_188 = arith.mulf %parallel_loop3A_185, %parallel_loop3A_187 : vector<16xf32>
      %parallel_loop3A_189 = arith.addf %parallel_loop3A_188, %parallel_loop3A_184 : vector<16xf32>
      %parallel_loop3A_190 = arith.maximumf %parallel_loop3A_122, %parallel_loop3A_114 : vector<16xf32>
      %parallel_loop3A_191 = arith.maximumf %parallel_loop3A_189, %parallel_loop3A_118 : vector<16xf32>
      %parallel_loop3A_192 = arith.maximumf %parallel_loop3A_190, %parallel_loop3A_191 : vector<16xf32>
      %parallel_loop3A_193 = arith.maximumf %parallel_loop3A_192, %parallel_loop3A_107 : vector<16xf32>
      %parallel_loop3A_194 = arith.subf %parallel_loop3A_122, %parallel_loop3A_193 : vector<16xf32>
      %parallel_loop3A_195 = math.exp %parallel_loop3A_194 : vector<16xf32>
      %parallel_loop3A_196 = arith.subf %parallel_loop3A_114, %parallel_loop3A_193 : vector<16xf32>
      %parallel_loop3A_197 = math.exp %parallel_loop3A_196 : vector<16xf32>
      %parallel_loop3A_198 = arith.addf %parallel_loop3A_195, %parallel_loop3A_197 : vector<16xf32>
      %parallel_loop3A_199 = arith.subf %parallel_loop3A_107, %parallel_loop3A_193 : vector<16xf32>
      %parallel_loop3A_200 = math.exp %parallel_loop3A_199 : vector<16xf32>
      %parallel_loop3A_201 = arith.addf %parallel_loop3A_198, %parallel_loop3A_200 : vector<16xf32>
      %parallel_loop3A_202 = arith.subf %parallel_loop3A_189, %parallel_loop3A_193 : vector<16xf32>
      %parallel_loop3A_203 = math.exp %parallel_loop3A_202 : vector<16xf32>
      %parallel_loop3A_204 = arith.addf %parallel_loop3A_201, %parallel_loop3A_203 : vector<16xf32>
      %parallel_loop3A_205 = arith.subf %parallel_loop3A_118, %parallel_loop3A_193 : vector<16xf32>
      %parallel_loop3A_206 = math.exp %parallel_loop3A_205 : vector<16xf32>
      %parallel_loop3A_207 = arith.addf %parallel_loop3A_204, %parallel_loop3A_206 : vector<16xf32>
      %parallel_loop3A_208 = tpu.bitcast %parallel_loop3A_207 : vector<16xf32> -> vector<16xi32>
      %parallel_loop3A_209 = arith.constant 23 : i32
      %parallel_loop3A_210 = vector.broadcast %parallel_loop3A_209 : i32 to vector<16xi32>
      %parallel_loop3A_211 = arith.shrsi %parallel_loop3A_208, %parallel_loop3A_210 : vector<16xi32>
      %parallel_loop3A_212 = arith.constant 127 : i32
      %parallel_loop3A_213 = vector.broadcast %parallel_loop3A_212 : i32 to vector<16xi32>
      %parallel_loop3A_214 = arith.subi %parallel_loop3A_211, %parallel_loop3A_213 : vector<16xi32>
      %parallel_loop3A_215 = arith.constant 8388607 : i32
      %parallel_loop3A_216 = vector.broadcast %parallel_loop3A_215 : i32 to vector<16xi32>
      %parallel_loop3A_217 = arith.andi %parallel_loop3A_208, %parallel_loop3A_216 : vector<16xi32>
      %parallel_loop3A_218 = arith.constant 1065353216 : i32
      %parallel_loop3A_219 = vector.broadcast %parallel_loop3A_218 : i32 to vector<16xi32>
      %parallel_loop3A_220 = arith.ori %parallel_loop3A_217, %parallel_loop3A_219 : vector<16xi32>
      %parallel_loop3A_221 = tpu.bitcast %parallel_loop3A_220 : vector<16xi32> -> vector<16xf32>
      %parallel_loop3A_222 = arith.constant 1.41421354 : f32
      %parallel_loop3A_223 = vector.broadcast %parallel_loop3A_222 : f32 to vector<16xf32>
      %parallel_loop3A_224 = arith.cmpf ogt, %parallel_loop3A_221, %parallel_loop3A_223 : vector<16xf32>
      %parallel_loop3A_225 = arith.constant 5.000000e-01 : f32
      %parallel_loop3A_226 = vector.broadcast %parallel_loop3A_225 : f32 to vector<16xf32>
      %parallel_loop3A_227 = arith.mulf %parallel_loop3A_221, %parallel_loop3A_226 : vector<16xf32>
      %parallel_loop3A_228 = arith.select %parallel_loop3A_224, %parallel_loop3A_227, %parallel_loop3A_221 : vector<16xi1>, vector<16xf32>
      %parallel_loop3A_229 = arith.constant 1 : i32
      %parallel_loop3A_230 = vector.broadcast %parallel_loop3A_229 : i32 to vector<16xi32>
      %parallel_loop3A_231 = arith.addi %parallel_loop3A_214, %parallel_loop3A_230 : vector<16xi32>
      %parallel_loop3A_232 = arith.select %parallel_loop3A_224, %parallel_loop3A_231, %parallel_loop3A_214 : vector<16xi1>, vector<16xi32>
      %parallel_loop3A_233 = arith.constant 1.000000e+00 : f32
      %parallel_loop3A_234 = vector.broadcast %parallel_loop3A_233 : f32 to vector<16xf32>
      %parallel_loop3A_235 = arith.subf %parallel_loop3A_228, %parallel_loop3A_234 : vector<16xf32>
      %parallel_loop3A_236 = arith.constant 0.114484355 : f32
      %parallel_loop3A_237 = vector.broadcast %parallel_loop3A_236 : f32 to vector<16xf32>
      %parallel_loop3A_238 = arith.mulf %parallel_loop3A_237, %parallel_loop3A_235 : vector<16xf32>
      %parallel_loop3A_239 = arith.constant 0.186276972 : f32
      %parallel_loop3A_240 = vector.broadcast %parallel_loop3A_239 : f32 to vector<16xf32>
      %parallel_loop3A_241 = arith.subf %parallel_loop3A_238, %parallel_loop3A_240 : vector<16xf32>
      %parallel_loop3A_242 = arith.mulf %parallel_loop3A_241, %parallel_loop3A_235 : vector<16xf32>
      %parallel_loop3A_243 = arith.constant 0.206117854 : f32
      %parallel_loop3A_244 = vector.broadcast %parallel_loop3A_243 : f32 to vector<16xf32>
      %parallel_loop3A_245 = arith.addf %parallel_loop3A_242, %parallel_loop3A_244 : vector<16xf32>
      %parallel_loop3A_246 = arith.mulf %parallel_loop3A_245, %parallel_loop3A_235 : vector<16xf32>
      %parallel_loop3A_247 = arith.constant 0.249112099 : f32
      %parallel_loop3A_248 = vector.broadcast %parallel_loop3A_247 : f32 to vector<16xf32>
      %parallel_loop3A_249 = arith.subf %parallel_loop3A_246, %parallel_loop3A_248 : vector<16xf32>
      %parallel_loop3A_250 = arith.mulf %parallel_loop3A_249, %parallel_loop3A_235 : vector<16xf32>
      %parallel_loop3A_251 = arith.constant 0.333048135 : f32
      %parallel_loop3A_252 = vector.broadcast %parallel_loop3A_251 : f32 to vector<16xf32>
      %parallel_loop3A_253 = arith.addf %parallel_loop3A_250, %parallel_loop3A_252 : vector<16xf32>
      %parallel_loop3A_254 = arith.mulf %parallel_loop3A_253, %parallel_loop3A_235 : vector<16xf32>
      %parallel_loop3A_255 = arith.constant 0.500012934 : f32
      %parallel_loop3A_256 = vector.broadcast %parallel_loop3A_255 : f32 to vector<16xf32>
      %parallel_loop3A_257 = arith.subf %parallel_loop3A_254, %parallel_loop3A_256 : vector<16xf32>
      %parallel_loop3A_258 = arith.mulf %parallel_loop3A_257, %parallel_loop3A_235 : vector<16xf32>
      %parallel_loop3A_259 = arith.constant 1.0000031 : f32
      %parallel_loop3A_260 = vector.broadcast %parallel_loop3A_259 : f32 to vector<16xf32>
      %parallel_loop3A_261 = arith.addf %parallel_loop3A_258, %parallel_loop3A_260 : vector<16xf32>
      %parallel_loop3A_262 = arith.mulf %parallel_loop3A_261, %parallel_loop3A_235 : vector<16xf32>
      %parallel_loop3A_263 = arith.constant 3.34232695E-8 : f32
      %parallel_loop3A_264 = vector.broadcast %parallel_loop3A_263 : f32 to vector<16xf32>
      %parallel_loop3A_265 = arith.addf %parallel_loop3A_262, %parallel_loop3A_264 : vector<16xf32>
      %parallel_loop3A_266 = arith.sitofp %parallel_loop3A_232 : vector<16xi32> to vector<16xf32>
      %parallel_loop3A_267 = arith.constant 0.693147182 : f32
      %parallel_loop3A_268 = vector.broadcast %parallel_loop3A_267 : f32 to vector<16xf32>
      %parallel_loop3A_269 = arith.mulf %parallel_loop3A_266, %parallel_loop3A_268 : vector<16xf32>
      %parallel_loop3A_270 = arith.addf %parallel_loop3A_269, %parallel_loop3A_265 : vector<16xf32>
      %parallel_loop3A_271 = arith.addf %parallel_loop3A_193, %parallel_loop3A_270 : vector<16xf32>
      %parallel_loop3A_272 = arith.subf %parallel_loop3A_122, %parallel_loop3A_271 : vector<16xf32>
      tpu.vector_store_idx %arg19[%parallel_loop3A_80, %parallel_loop3A_109], %parallel_loop3A_272 : memref<512x5xf32, #tpu.memory_space<vmem>>[vector<16xi32>, vector<16xi32>], vector<16xf32>,
      %parallel_loop3A_273 = arith.constant 1 : i32
      %parallel_loop3A_274 = vector.broadcast %parallel_loop3A_273 : i32 to vector<16xi32>
      %parallel_loop3A_275 = arith.addi %parallel_loop3A_109, %parallel_loop3A_274 : vector<16xi32>
      %parallel_loop3A_276 = arith.subf %parallel_loop3A_114, %parallel_loop3A_271 : vector<16xf32>
      tpu.vector_store_idx %arg19[%parallel_loop3A_80, %parallel_loop3A_275], %parallel_loop3A_276 : memref<512x5xf32, #tpu.memory_space<vmem>>[vector<16xi32>, vector<16xi32>], vector<16xf32>,
      %parallel_loop3A_277 = arith.constant 2 : i32
      %parallel_loop3A_278 = vector.broadcast %parallel_loop3A_277 : i32 to vector<16xi32>
      %parallel_loop3A_279 = arith.addi %parallel_loop3A_109, %parallel_loop3A_278 : vector<16xi32>
      %parallel_loop3A_280 = arith.subf %parallel_loop3A_107, %parallel_loop3A_271 : vector<16xf32>
      tpu.vector_store_idx %arg19[%parallel_loop3A_80, %parallel_loop3A_279], %parallel_loop3A_280 : memref<512x5xf32, #tpu.memory_space<vmem>>[vector<16xi32>, vector<16xi32>], vector<16xf32>,
      %parallel_loop3A_281 = arith.constant 3 : i32
      %parallel_loop3A_282 = vector.broadcast %parallel_loop3A_281 : i32 to vector<16xi32>
      %parallel_loop3A_283 = arith.addi %parallel_loop3A_109, %parallel_loop3A_282 : vector<16xi32>
      %parallel_loop3A_284 = arith.subf %parallel_loop3A_189, %parallel_loop3A_271 : vector<16xf32>
      tpu.vector_store_idx %arg19[%parallel_loop3A_80, %parallel_loop3A_283], %parallel_loop3A_284 : memref<512x5xf32, #tpu.memory_space<vmem>>[vector<16xi32>, vector<16xi32>], vector<16xf32>,
      %parallel_loop3A_285 = arith.constant 4 : i32
      %parallel_loop3A_286 = vector.broadcast %parallel_loop3A_285 : i32 to vector<16xi32>
      %parallel_loop3A_287 = arith.addi %parallel_loop3A_109, %parallel_loop3A_286 : vector<16xi32>
      %parallel_loop3A_288 = arith.subf %parallel_loop3A_118, %parallel_loop3A_271 : vector<16xf32>
      tpu.vector_store_idx %arg19[%parallel_loop3A_80, %parallel_loop3A_287], %parallel_loop3A_288 : memref<512x5xf32, #tpu.memory_space<vmem>>[vector<16xi32>, vector<16xi32>], vector<16xf32>,
    } {sc.loop_unroll_factor = 1 : i64, sc.parallel_access}
    %add3A_27 = arith.constant 0 : i32
    %add3A_28 = arith.addi %mul3A_2, %add3A_27 : i32
    %dma_start3A_29 = arith.constant 0 : i32
    %dma_start3A_30 = arith.constant 0 : i32
    %dma_start3A_31 = tpu.memref_slice %arg19[%dma_start3A_29, %dma_start3A_30] : memref<512x5xf32, #tpu.memory_space<vmem>> -> memref<256x5xf32, #tpu.memory_space<vmem>>
    %dma_start3A_32 = arith.constant 0 : i32
    %dma_start3A_33 = tpu.memref_slice %arg10[%add3A_28, %dma_start3A_32] : memref<16384x5xf32, #tpu.memory_space<hbm>> -> memref<256x5xf32, #tpu.memory_space<hbm>>
    %dma_start3A_34 = arith.constant 0 : i32
    %dma_start3A_35 = tpu.memref_slice %arg10[%add3A_28, %dma_start3A_34] : memref<16384x5xf32, #tpu.memory_space<hbm>> -> memref<256x5xf32, #tpu.memory_space<hbm>>
    %dma_start3A_36 = arith.constant 0 : i32
    %dma_start3A_37 = arith.constant 0 : i32
    %dma_start3A_38 = tpu.memref_slice %arg19[%dma_start3A_36, %dma_start3A_37] : memref<512x5xf32, #tpu.memory_space<vmem>> -> memref<256x5xf32, #tpu.memory_space<vmem>>
    tpu.enqueue_dma source(%dma_start3A_38 : memref<256x5xf32, #tpu.memory_space<vmem>>) target(%dma_start3A_35 : memref<256x5xf32, #tpu.memory_space<hbm>>) target_semaphore(%arg21 : memref<!tpu.dma_semaphore, #tpu.memory_space<semaphore_mem>>)
    %parallel_loop3A_39 = arith.constant 16 : i32
    %parallel_loop3A_40 = arith.constant 32 : i32
    %parallel_loop3A_41 = arith.constant 1 : i32
    scf.for %parallel_loop3A_74 = %parallel_loop3A_39 to %parallel_loop3A_40 step %parallel_loop3A_41  : i32 {
      %parallel_loop3A_75 = arith.constant 16 : i32
      %parallel_loop3A_76 = arith.muli %parallel_loop3A_74, %parallel_loop3A_75 : i32
      %parallel_loop3A_77 = arith.constant 16 : i32
      %parallel_loop3A_78 = arith.muli %parallel_loop3A_74, %parallel_loop3A_77 : i32
      %parallel_loop3A_79 = vector.broadcast %parallel_loop3A_78 : i32 to vector<16xi32>
      %parallel_loop3A_80 = arith.addi %parallel_loop3A_79, %iota3A : vector<16xi32>
      %parallel_loop3A_81 = arith.index_cast %parallel_loop3A_76 : i32 to index
      %parallel_loop3A_82 = tpu.vector_load %arg11[%parallel_loop3A_81] {strides = array<i32>} : memref<512xi32, #tpu.memory_space<vmem>>, vector<16xi32>,
      %parallel_loop3A_83 = arith.index_cast %parallel_loop3A_76 : i32 to index
      %parallel_loop3A_84 = tpu.vector_load %arg12[%parallel_loop3A_83] {strides = array<i32>} : memref<512xf32, #tpu.memory_space<vmem>>, vector<16xf32>,
      %parallel_loop3A_85 = arith.index_cast %parallel_loop3A_76 : i32 to index
      %parallel_loop3A_86 = tpu.vector_load %arg13[%parallel_loop3A_85] {strides = array<i32>} : memref<512xi32, #tpu.memory_space<vmem>>, vector<16xi32>,
      %parallel_loop3A_87 = arith.constant 5 : i32
      %parallel_loop3A_88 = vector.broadcast %parallel_loop3A_87 : i32 to vector<16xi32>
      %parallel_loop3A_89 = arith.muli %parallel_loop3A_86, %parallel_loop3A_88 : vector<16xi32>
      %parallel_loop3A_90 = arith.index_cast %parallel_loop3A_76 : i32 to index
      %parallel_loop3A_91 = tpu.vector_load %arg14[%parallel_loop3A_90] {strides = array<i32>} : memref<512xi32, #tpu.memory_space<vmem>>, vector<16xi32>,
      %parallel_loop3A_92 = arith.addi %parallel_loop3A_89, %parallel_loop3A_91 : vector<16xi32>
      %parallel_loop3A_93 = arith.constant 5 : i32
      %parallel_loop3A_94 = vector.broadcast %parallel_loop3A_93 : i32 to vector<16xi32>
      %parallel_loop3A_95 = arith.muli %parallel_loop3A_92, %parallel_loop3A_94 : vector<16xi32>
      %parallel_loop3A_96 = arith.index_cast %parallel_loop3A_76 : i32 to index
      %parallel_loop3A_97 = tpu.vector_load %arg15[%parallel_loop3A_96] {strides = array<i32>} : memref<512xi32, #tpu.memory_space<vmem>>, vector<16xi32>,
      %parallel_loop3A_98 = arith.addi %parallel_loop3A_95, %parallel_loop3A_97 : vector<16xi32>
      %parallel_loop3A_99 = arith.constant 5 : i32
      %parallel_loop3A_100 = vector.broadcast %parallel_loop3A_99 : i32 to vector<16xi32>
      %parallel_loop3A_101 = arith.muli %parallel_loop3A_98, %parallel_loop3A_100 : vector<16xi32>
      %parallel_loop3A_102 = arith.index_cast %parallel_loop3A_76 : i32 to index
      %parallel_loop3A_103 = tpu.vector_load %arg16[%parallel_loop3A_102] {strides = array<i32>} : memref<512xi32, #tpu.memory_space<vmem>>, vector<16xi32>,
      %parallel_loop3A_104 = arith.addi %parallel_loop3A_101, %parallel_loop3A_103 : vector<16xi32>
      %parallel_loop3A_105 = tpu.vector_load_idx %arg18[%parallel_loop3A_104] : memref<625xf32, #tpu.memory_space<vmem>>[vector<16xi32>], vector<16xf32>,
      %parallel_loop3A_106 = arith.constant 0.000000e+00 : f32
      %parallel_loop3A_107 = vector.broadcast %parallel_loop3A_106 : f32 to vector<16xf32>
      %parallel_loop3A_108 = arith.constant 0 : i32
      %parallel_loop3A_109 = vector.broadcast %parallel_loop3A_108 : i32 to vector<16xi32>
      %parallel_loop3A_110 = tpu.vector_load_idx %arg17[%parallel_loop3A_82, %parallel_loop3A_109] : memref<5x5xf32, #tpu.memory_space<vmem>>[vector<16xi32>, vector<16xi32>], vector<16xf32>,
      %parallel_loop3A_111 = arith.constant 1 : i32
      %parallel_loop3A_112 = vector.broadcast %parallel_loop3A_111 : i32 to vector<16xi32>
      %parallel_loop3A_113 = arith.addi %parallel_loop3A_109, %parallel_loop3A_112 : vector<16xi32>
      %parallel_loop3A_114 = tpu.vector_load_idx %arg17[%parallel_loop3A_82, %parallel_loop3A_113] : memref<5x5xf32, #tpu.memory_space<vmem>>[vector<16xi32>, vector<16xi32>], vector<16xf32>,
      %parallel_loop3A_115 = arith.constant 4 : i32
      %parallel_loop3A_116 = vector.broadcast %parallel_loop3A_115 : i32 to vector<16xi32>
      %parallel_loop3A_117 = arith.addi %parallel_loop3A_109, %parallel_loop3A_116 : vector<16xi32>
      %parallel_loop3A_118 = tpu.vector_load_idx %arg17[%parallel_loop3A_82, %parallel_loop3A_117] : memref<5x5xf32, #tpu.memory_space<vmem>>[vector<16xi32>, vector<16xi32>], vector<16xf32>,
      %parallel_loop3A_119 = arith.constant 0 : i32
      %parallel_loop3A_120 = vector.broadcast %parallel_loop3A_119 : i32 to vector<16xi32>
      %parallel_loop3A_121 = arith.cmpi eq, %parallel_loop3A_82, %parallel_loop3A_120 : vector<16xi32>
      %parallel_loop3A_122 = arith.select %parallel_loop3A_121, %parallel_loop3A_105, %parallel_loop3A_110 : vector<16xi1>, vector<16xf32>
      %parallel_loop3A_123 = arith.constant 2.000000e+00 : f32
      %parallel_loop3A_124 = vector.broadcast %parallel_loop3A_123 : f32 to vector<16xf32>
      %parallel_loop3A_125 = arith.subf %parallel_loop3A_124, %parallel_loop3A_84 : vector<16xf32>
      %parallel_loop3A_126 = arith.mulf %parallel_loop3A_84, %parallel_loop3A_125 : vector<16xf32>
      %parallel_loop3A_127 = tpu.bitcast %parallel_loop3A_126 : vector<16xf32> -> vector<16xi32>
      %parallel_loop3A_128 = arith.constant 23 : i32
      %parallel_loop3A_129 = vector.broadcast %parallel_loop3A_128 : i32 to vector<16xi32>
      %parallel_loop3A_130 = arith.shrsi %parallel_loop3A_127, %parallel_loop3A_129 : vector<16xi32>
      %parallel_loop3A_131 = arith.constant 127 : i32
      %parallel_loop3A_132 = vector.broadcast %parallel_loop3A_131 : i32 to vector<16xi32>
      %parallel_loop3A_133 = arith.subi %parallel_loop3A_130, %parallel_loop3A_132 : vector<16xi32>
      %parallel_loop3A_134 = arith.constant 8388607 : i32
      %parallel_loop3A_135 = vector.broadcast %parallel_loop3A_134 : i32 to vector<16xi32>
      %parallel_loop3A_136 = arith.andi %parallel_loop3A_127, %parallel_loop3A_135 : vector<16xi32>
      %parallel_loop3A_137 = arith.constant 1065353216 : i32
      %parallel_loop3A_138 = vector.broadcast %parallel_loop3A_137 : i32 to vector<16xi32>
      %parallel_loop3A_139 = arith.ori %parallel_loop3A_136, %parallel_loop3A_138 : vector<16xi32>
      %parallel_loop3A_140 = tpu.bitcast %parallel_loop3A_139 : vector<16xi32> -> vector<16xf32>
      %parallel_loop3A_141 = arith.constant 1.41421354 : f32
      %parallel_loop3A_142 = vector.broadcast %parallel_loop3A_141 : f32 to vector<16xf32>
      %parallel_loop3A_143 = arith.cmpf ogt, %parallel_loop3A_140, %parallel_loop3A_142 : vector<16xf32>
      %parallel_loop3A_144 = arith.constant 5.000000e-01 : f32
      %parallel_loop3A_145 = vector.broadcast %parallel_loop3A_144 : f32 to vector<16xf32>
      %parallel_loop3A_146 = arith.mulf %parallel_loop3A_140, %parallel_loop3A_145 : vector<16xf32>
      %parallel_loop3A_147 = arith.select %parallel_loop3A_143, %parallel_loop3A_146, %parallel_loop3A_140 : vector<16xi1>, vector<16xf32>
      %parallel_loop3A_148 = arith.constant 1 : i32
      %parallel_loop3A_149 = vector.broadcast %parallel_loop3A_148 : i32 to vector<16xi32>
      %parallel_loop3A_150 = arith.addi %parallel_loop3A_133, %parallel_loop3A_149 : vector<16xi32>
      %parallel_loop3A_151 = arith.select %parallel_loop3A_143, %parallel_loop3A_150, %parallel_loop3A_133 : vector<16xi1>, vector<16xi32>
      %parallel_loop3A_152 = arith.constant 1.000000e+00 : f32
      %parallel_loop3A_153 = vector.broadcast %parallel_loop3A_152 : f32 to vector<16xf32>
      %parallel_loop3A_154 = arith.subf %parallel_loop3A_147, %parallel_loop3A_153 : vector<16xf32>
      %parallel_loop3A_155 = arith.constant 0.114484355 : f32
      %parallel_loop3A_156 = vector.broadcast %parallel_loop3A_155 : f32 to vector<16xf32>
      %parallel_loop3A_157 = arith.mulf %parallel_loop3A_156, %parallel_loop3A_154 : vector<16xf32>
      %parallel_loop3A_158 = arith.constant 0.186276972 : f32
      %parallel_loop3A_159 = vector.broadcast %parallel_loop3A_158 : f32 to vector<16xf32>
      %parallel_loop3A_160 = arith.subf %parallel_loop3A_157, %parallel_loop3A_159 : vector<16xf32>
      %parallel_loop3A_161 = arith.mulf %parallel_loop3A_160, %parallel_loop3A_154 : vector<16xf32>
      %parallel_loop3A_162 = arith.constant 0.206117854 : f32
      %parallel_loop3A_163 = vector.broadcast %parallel_loop3A_162 : f32 to vector<16xf32>
      %parallel_loop3A_164 = arith.addf %parallel_loop3A_161, %parallel_loop3A_163 : vector<16xf32>
      %parallel_loop3A_165 = arith.mulf %parallel_loop3A_164, %parallel_loop3A_154 : vector<16xf32>
      %parallel_loop3A_166 = arith.constant 0.249112099 : f32
      %parallel_loop3A_167 = vector.broadcast %parallel_loop3A_166 : f32 to vector<16xf32>
      %parallel_loop3A_168 = arith.subf %parallel_loop3A_165, %parallel_loop3A_167 : vector<16xf32>
      %parallel_loop3A_169 = arith.mulf %parallel_loop3A_168, %parallel_loop3A_154 : vector<16xf32>
      %parallel_loop3A_170 = arith.constant 0.333048135 : f32
      %parallel_loop3A_171 = vector.broadcast %parallel_loop3A_170 : f32 to vector<16xf32>
      %parallel_loop3A_172 = arith.addf %parallel_loop3A_169, %parallel_loop3A_171 : vector<16xf32>
      %parallel_loop3A_173 = arith.mulf %parallel_loop3A_172, %parallel_loop3A_154 : vector<16xf32>
      %parallel_loop3A_174 = arith.constant 0.500012934 : f32
      %parallel_loop3A_175 = vector.broadcast %parallel_loop3A_174 : f32 to vector<16xf32>
      %parallel_loop3A_176 = arith.subf %parallel_loop3A_173, %parallel_loop3A_175 : vector<16xf32>
      %parallel_loop3A_177 = arith.mulf %parallel_loop3A_176, %parallel_loop3A_154 : vector<16xf32>
      %parallel_loop3A_178 = arith.constant 1.0000031 : f32
      %parallel_loop3A_179 = vector.broadcast %parallel_loop3A_178 : f32 to vector<16xf32>
      %parallel_loop3A_180 = arith.addf %parallel_loop3A_177, %parallel_loop3A_179 : vector<16xf32>
      %parallel_loop3A_181 = arith.mulf %parallel_loop3A_180, %parallel_loop3A_154 : vector<16xf32>
      %parallel_loop3A_182 = arith.constant 3.34232695E-8 : f32
      %parallel_loop3A_183 = vector.broadcast %parallel_loop3A_182 : f32 to vector<16xf32>
      %parallel_loop3A_184 = arith.addf %parallel_loop3A_181, %parallel_loop3A_183 : vector<16xf32>
      %parallel_loop3A_185 = arith.sitofp %parallel_loop3A_151 : vector<16xi32> to vector<16xf32>
      %parallel_loop3A_186 = arith.constant 0.693147182 : f32
      %parallel_loop3A_187 = vector.broadcast %parallel_loop3A_186 : f32 to vector<16xf32>
      %parallel_loop3A_188 = arith.mulf %parallel_loop3A_185, %parallel_loop3A_187 : vector<16xf32>
      %parallel_loop3A_189 = arith.addf %parallel_loop3A_188, %parallel_loop3A_184 : vector<16xf32>
      %parallel_loop3A_190 = arith.maximumf %parallel_loop3A_122, %parallel_loop3A_114 : vector<16xf32>
      %parallel_loop3A_191 = arith.maximumf %parallel_loop3A_189, %parallel_loop3A_118 : vector<16xf32>
      %parallel_loop3A_192 = arith.maximumf %parallel_loop3A_190, %parallel_loop3A_191 : vector<16xf32>
      %parallel_loop3A_193 = arith.maximumf %parallel_loop3A_192, %parallel_loop3A_107 : vector<16xf32>
      %parallel_loop3A_194 = arith.subf %parallel_loop3A_122, %parallel_loop3A_193 : vector<16xf32>
      %parallel_loop3A_195 = math.exp %parallel_loop3A_194 : vector<16xf32>
      %parallel_loop3A_196 = arith.subf %parallel_loop3A_114, %parallel_loop3A_193 : vector<16xf32>
      %parallel_loop3A_197 = math.exp %parallel_loop3A_196 : vector<16xf32>
      %parallel_loop3A_198 = arith.addf %parallel_loop3A_195, %parallel_loop3A_197 : vector<16xf32>
      %parallel_loop3A_199 = arith.subf %parallel_loop3A_107, %parallel_loop3A_193 : vector<16xf32>
      %parallel_loop3A_200 = math.exp %parallel_loop3A_199 : vector<16xf32>
      %parallel_loop3A_201 = arith.addf %parallel_loop3A_198, %parallel_loop3A_200 : vector<16xf32>
      %parallel_loop3A_202 = arith.subf %parallel_loop3A_189, %parallel_loop3A_193 : vector<16xf32>
      %parallel_loop3A_203 = math.exp %parallel_loop3A_202 : vector<16xf32>
      %parallel_loop3A_204 = arith.addf %parallel_loop3A_201, %parallel_loop3A_203 : vector<16xf32>
      %parallel_loop3A_205 = arith.subf %parallel_loop3A_118, %parallel_loop3A_193 : vector<16xf32>
      %parallel_loop3A_206 = math.exp %parallel_loop3A_205 : vector<16xf32>
      %parallel_loop3A_207 = arith.addf %parallel_loop3A_204, %parallel_loop3A_206 : vector<16xf32>
      %parallel_loop3A_208 = tpu.bitcast %parallel_loop3A_207 : vector<16xf32> -> vector<16xi32>
      %parallel_loop3A_209 = arith.constant 23 : i32
      %parallel_loop3A_210 = vector.broadcast %parallel_loop3A_209 : i32 to vector<16xi32>
      %parallel_loop3A_211 = arith.shrsi %parallel_loop3A_208, %parallel_loop3A_210 : vector<16xi32>
      %parallel_loop3A_212 = arith.constant 127 : i32
      %parallel_loop3A_213 = vector.broadcast %parallel_loop3A_212 : i32 to vector<16xi32>
      %parallel_loop3A_214 = arith.subi %parallel_loop3A_211, %parallel_loop3A_213 : vector<16xi32>
      %parallel_loop3A_215 = arith.constant 8388607 : i32
      %parallel_loop3A_216 = vector.broadcast %parallel_loop3A_215 : i32 to vector<16xi32>
      %parallel_loop3A_217 = arith.andi %parallel_loop3A_208, %parallel_loop3A_216 : vector<16xi32>
      %parallel_loop3A_218 = arith.constant 1065353216 : i32
      %parallel_loop3A_219 = vector.broadcast %parallel_loop3A_218 : i32 to vector<16xi32>
      %parallel_loop3A_220 = arith.ori %parallel_loop3A_217, %parallel_loop3A_219 : vector<16xi32>
      %parallel_loop3A_221 = tpu.bitcast %parallel_loop3A_220 : vector<16xi32> -> vector<16xf32>
      %parallel_loop3A_222 = arith.constant 1.41421354 : f32
      %parallel_loop3A_223 = vector.broadcast %parallel_loop3A_222 : f32 to vector<16xf32>
      %parallel_loop3A_224 = arith.cmpf ogt, %parallel_loop3A_221, %parallel_loop3A_223 : vector<16xf32>
      %parallel_loop3A_225 = arith.constant 5.000000e-01 : f32
      %parallel_loop3A_226 = vector.broadcast %parallel_loop3A_225 : f32 to vector<16xf32>
      %parallel_loop3A_227 = arith.mulf %parallel_loop3A_221, %parallel_loop3A_226 : vector<16xf32>
      %parallel_loop3A_228 = arith.select %parallel_loop3A_224, %parallel_loop3A_227, %parallel_loop3A_221 : vector<16xi1>, vector<16xf32>
      %parallel_loop3A_229 = arith.constant 1 : i32
      %parallel_loop3A_230 = vector.broadcast %parallel_loop3A_229 : i32 to vector<16xi32>
      %parallel_loop3A_231 = arith.addi %parallel_loop3A_214, %parallel_loop3A_230 : vector<16xi32>
      %parallel_loop3A_232 = arith.select %parallel_loop3A_224, %parallel_loop3A_231, %parallel_loop3A_214 : vector<16xi1>, vector<16xi32>
      %parallel_loop3A_233 = arith.constant 1.000000e+00 : f32
      %parallel_loop3A_234 = vector.broadcast %parallel_loop3A_233 : f32 to vector<16xf32>
      %parallel_loop3A_235 = arith.subf %parallel_loop3A_228, %parallel_loop3A_234 : vector<16xf32>
      %parallel_loop3A_236 = arith.constant 0.114484355 : f32
      %parallel_loop3A_237 = vector.broadcast %parallel_loop3A_236 : f32 to vector<16xf32>
      %parallel_loop3A_238 = arith.mulf %parallel_loop3A_237, %parallel_loop3A_235 : vector<16xf32>
      %parallel_loop3A_239 = arith.constant 0.186276972 : f32
      %parallel_loop3A_240 = vector.broadcast %parallel_loop3A_239 : f32 to vector<16xf32>
      %parallel_loop3A_241 = arith.subf %parallel_loop3A_238, %parallel_loop3A_240 : vector<16xf32>
      %parallel_loop3A_242 = arith.mulf %parallel_loop3A_241, %parallel_loop3A_235 : vector<16xf32>
      %parallel_loop3A_243 = arith.constant 0.206117854 : f32
      %parallel_loop3A_244 = vector.broadcast %parallel_loop3A_243 : f32 to vector<16xf32>
      %parallel_loop3A_245 = arith.addf %parallel_loop3A_242, %parallel_loop3A_244 : vector<16xf32>
      %parallel_loop3A_246 = arith.mulf %parallel_loop3A_245, %parallel_loop3A_235 : vector<16xf32>
      %parallel_loop3A_247 = arith.constant 0.249112099 : f32
      %parallel_loop3A_248 = vector.broadcast %parallel_loop3A_247 : f32 to vector<16xf32>
      %parallel_loop3A_249 = arith.subf %parallel_loop3A_246, %parallel_loop3A_248 : vector<16xf32>
      %parallel_loop3A_250 = arith.mulf %parallel_loop3A_249, %parallel_loop3A_235 : vector<16xf32>
      %parallel_loop3A_251 = arith.constant 0.333048135 : f32
      %parallel_loop3A_252 = vector.broadcast %parallel_loop3A_251 : f32 to vector<16xf32>
      %parallel_loop3A_253 = arith.addf %parallel_loop3A_250, %parallel_loop3A_252 : vector<16xf32>
      %parallel_loop3A_254 = arith.mulf %parallel_loop3A_253, %parallel_loop3A_235 : vector<16xf32>
      %parallel_loop3A_255 = arith.constant 0.500012934 : f32
      %parallel_loop3A_256 = vector.broadcast %parallel_loop3A_255 : f32 to vector<16xf32>
      %parallel_loop3A_257 = arith.subf %parallel_loop3A_254, %parallel_loop3A_256 : vector<16xf32>
      %parallel_loop3A_258 = arith.mulf %parallel_loop3A_257, %parallel_loop3A_235 : vector<16xf32>
      %parallel_loop3A_259 = arith.constant 1.0000031 : f32
      %parallel_loop3A_260 = vector.broadcast %parallel_loop3A_259 : f32 to vector<16xf32>
      %parallel_loop3A_261 = arith.addf %parallel_loop3A_258, %parallel_loop3A_260 : vector<16xf32>
      %parallel_loop3A_262 = arith.mulf %parallel_loop3A_261, %parallel_loop3A_235 : vector<16xf32>
      %parallel_loop3A_263 = arith.constant 3.34232695E-8 : f32
      %parallel_loop3A_264 = vector.broadcast %parallel_loop3A_263 : f32 to vector<16xf32>
      %parallel_loop3A_265 = arith.addf %parallel_loop3A_262, %parallel_loop3A_264 : vector<16xf32>
      %parallel_loop3A_266 = arith.sitofp %parallel_loop3A_232 : vector<16xi32> to vector<16xf32>
      %parallel_loop3A_267 = arith.constant 0.693147182 : f32
      %parallel_loop3A_268 = vector.broadcast %parallel_loop3A_267 : f32 to vector<16xf32>
      %parallel_loop3A_269 = arith.mulf %parallel_loop3A_266, %parallel_loop3A_268 : vector<16xf32>
      %parallel_loop3A_270 = arith.addf %parallel_loop3A_269, %parallel_loop3A_265 : vector<16xf32>
      %parallel_loop3A_271 = arith.addf %parallel_loop3A_193, %parallel_loop3A_270 : vector<16xf32>
      %parallel_loop3A_272 = arith.subf %parallel_loop3A_122, %parallel_loop3A_271 : vector<16xf32>
      tpu.vector_store_idx %arg19[%parallel_loop3A_80, %parallel_loop3A_109], %parallel_loop3A_272 : memref<512x5xf32, #tpu.memory_space<vmem>>[vector<16xi32>, vector<16xi32>], vector<16xf32>,
      %parallel_loop3A_273 = arith.constant 1 : i32
      %parallel_loop3A_274 = vector.broadcast %parallel_loop3A_273 : i32 to vector<16xi32>
      %parallel_loop3A_275 = arith.addi %parallel_loop3A_109, %parallel_loop3A_274 : vector<16xi32>
      %parallel_loop3A_276 = arith.subf %parallel_loop3A_114, %parallel_loop3A_271 : vector<16xf32>
      tpu.vector_store_idx %arg19[%parallel_loop3A_80, %parallel_loop3A_275], %parallel_loop3A_276 : memref<512x5xf32, #tpu.memory_space<vmem>>[vector<16xi32>, vector<16xi32>], vector<16xf32>,
      %parallel_loop3A_277 = arith.constant 2 : i32
      %parallel_loop3A_278 = vector.broadcast %parallel_loop3A_277 : i32 to vector<16xi32>
      %parallel_loop3A_279 = arith.addi %parallel_loop3A_109, %parallel_loop3A_278 : vector<16xi32>
      %parallel_loop3A_280 = arith.subf %parallel_loop3A_107, %parallel_loop3A_271 : vector<16xf32>
      tpu.vector_store_idx %arg19[%parallel_loop3A_80, %parallel_loop3A_279], %parallel_loop3A_280 : memref<512x5xf32, #tpu.memory_space<vmem>>[vector<16xi32>, vector<16xi32>], vector<16xf32>,
      %parallel_loop3A_281 = arith.constant 3 : i32
      %parallel_loop3A_282 = vector.broadcast %parallel_loop3A_281 : i32 to vector<16xi32>
      %parallel_loop3A_283 = arith.addi %parallel_loop3A_109, %parallel_loop3A_282 : vector<16xi32>
      %parallel_loop3A_284 = arith.subf %parallel_loop3A_189, %parallel_loop3A_271 : vector<16xf32>
      tpu.vector_store_idx %arg19[%parallel_loop3A_80, %parallel_loop3A_283], %parallel_loop3A_284 : memref<512x5xf32, #tpu.memory_space<vmem>>[vector<16xi32>, vector<16xi32>], vector<16xf32>,
      %parallel_loop3A_285 = arith.constant 4 : i32
      %parallel_loop3A_286 = vector.broadcast %parallel_loop3A_285 : i32 to vector<16xi32>
      %parallel_loop3A_287 = arith.addi %parallel_loop3A_109, %parallel_loop3A_286 : vector<16xi32>
      %parallel_loop3A_288 = arith.subf %parallel_loop3A_118, %parallel_loop3A_271 : vector<16xf32>
      tpu.vector_store_idx %arg19[%parallel_loop3A_80, %parallel_loop3A_287], %parallel_loop3A_288 : memref<512x5xf32, #tpu.memory_space<vmem>>[vector<16xi32>, vector<16xi32>], vector<16xf32>,
    } {sc.loop_unroll_factor = 1 : i64, sc.parallel_access}
    %add3A_42 = arith.constant 256 : i32
    %add3A_43 = arith.addi %mul3A_2, %add3A_42 : i32
    %dma_start3A_44 = arith.constant 256 : i32
    %dma_start3A_45 = arith.constant 0 : i32
    %dma_start3A_46 = tpu.memref_slice %arg19[%dma_start3A_44, %dma_start3A_45] : memref<512x5xf32, #tpu.memory_space<vmem>> -> memref<256x5xf32, #tpu.memory_space<vmem>>
    %dma_start3A_47 = arith.constant 0 : i32
    %dma_start3A_48 = tpu.memref_slice %arg10[%add3A_43, %dma_start3A_47] : memref<16384x5xf32, #tpu.memory_space<hbm>> -> memref<256x5xf32, #tpu.memory_space<hbm>>
    %dma_start3A_49 = arith.constant 0 : i32
    %dma_start3A_50 = tpu.memref_slice %arg10[%add3A_43, %dma_start3A_49] : memref<16384x5xf32, #tpu.memory_space<hbm>> -> memref<256x5xf32, #tpu.memory_space<hbm>>
    %dma_start3A_51 = arith.constant 256 : i32
    %dma_start3A_52 = arith.constant 0 : i32
    %dma_start3A_53 = tpu.memref_slice %arg19[%dma_start3A_51, %dma_start3A_52] : memref<512x5xf32, #tpu.memory_space<vmem>> -> memref<256x5xf32, #tpu.memory_space<vmem>>
    tpu.enqueue_dma source(%dma_start3A_53 : memref<256x5xf32, #tpu.memory_space<vmem>>) target(%dma_start3A_50 : memref<256x5xf32, #tpu.memory_space<hbm>>) target_semaphore(%arg21 : memref<!tpu.dma_semaphore, #tpu.memory_space<semaphore_mem>>)
    %dma_wait3A_54 = arith.constant 0 : i32
    %dma_wait3A_55 = arith.constant 0 : i32
    %dma_wait3A_56 = tpu.memref_slice %arg19[%dma_wait3A_54, %dma_wait3A_55] : memref<512x5xf32, #tpu.memory_space<vmem>> -> memref<256x5xf32, #tpu.memory_space<vmem>>
    %dma_wait3A_57 = arith.constant 0 : i32
    %dma_wait3A_58 = tpu.memref_slice %arg10[%add3A_28, %dma_wait3A_57] : memref<16384x5xf32, #tpu.memory_space<hbm>> -> memref<256x5xf32, #tpu.memory_space<hbm>>
    %dma_wait3A_59 = arith.constant 0 : i32
    %dma_wait3A_60 = tpu.memref_slice %arg10[%add3A_28, %dma_wait3A_59] : memref<16384x5xf32, #tpu.memory_space<hbm>> -> memref<256x5xf32, #tpu.memory_space<hbm>>
    %dma_wait3A_61 = arith.constant 0 : i32
    %dma_wait3A_62 = arith.constant 0 : i32
    %dma_wait3A_63 = tpu.memref_slice %arg19[%dma_wait3A_61, %dma_wait3A_62] : memref<512x5xf32, #tpu.memory_space<vmem>> -> memref<256x5xf32, #tpu.memory_space<vmem>>
    tpu.wait_dma2 semaphore(%arg21 : memref<!tpu.dma_semaphore, #tpu.memory_space<semaphore_mem>>) src(%dma_wait3A_63 : memref<256x5xf32, #tpu.memory_space<vmem>>) dst(%dma_wait3A_60 : memref<256x5xf32, #tpu.memory_space<hbm>>)
    %dma_wait3A_64 = arith.constant 256 : i32
    %dma_wait3A_65 = arith.constant 0 : i32
    %dma_wait3A_66 = tpu.memref_slice %arg19[%dma_wait3A_64, %dma_wait3A_65] : memref<512x5xf32, #tpu.memory_space<vmem>> -> memref<256x5xf32, #tpu.memory_space<vmem>>
    %dma_wait3A_67 = arith.constant 0 : i32
    %dma_wait3A_68 = tpu.memref_slice %arg10[%add3A_43, %dma_wait3A_67] : memref<16384x5xf32, #tpu.memory_space<hbm>> -> memref<256x5xf32, #tpu.memory_space<hbm>>
    %dma_wait3A_69 = arith.constant 0 : i32
    %dma_wait3A_70 = tpu.memref_slice %arg10[%add3A_43, %dma_wait3A_69] : memref<16384x5xf32, #tpu.memory_space<hbm>> -> memref<256x5xf32, #tpu.memory_space<hbm>>
    %dma_wait3A_71 = arith.constant 256 : i32
    %dma_wait3A_72 = arith.constant 0 : i32
    %dma_wait3A_73 = tpu.memref_slice %arg19[%dma_wait3A_71, %dma_wait3A_72] : memref<512x5xf32, #tpu.memory_space<vmem>> -> memref<256x5xf32, #tpu.memory_space<vmem>>
    tpu.wait_dma2 semaphore(%arg21 : memref<!tpu.dma_semaphore, #tpu.memory_space<semaphore_mem>>) src(%dma_wait3A_73 : memref<256x5xf32, #tpu.memory_space<vmem>>) dst(%dma_wait3A_70 : memref<256x5xf32, #tpu.memory_space<hbm>>)
    return
  }
}

</mosaic_0001>

<sc_bundles>
// kernel: kernel.3.cloned.1.call-start
scs
__scs_entry_jumppad:
0x0: {  	(pc) =	sbr.rel $0x88, $3  }
0x1: {  	(tag) =	ssettag $0x0;
	lr =	simm.s32 $0x1  }
0x2: {  	[smem:$0x3F9C] =	sst lr;
	_ =	strace $0xD0000000  }
0x3: {  	_ = 	snop  }
0x4: {  	_ = 	snop  }
0x5: {  	_ = 	snop  }
0x6: {  	_ = 	snop  }
0x7: {  	_ = 	snop  }
__scs_overlays_trampoline_lowered:
0x8: {  	[smem:$0x3FAB] =	sst s0  }
0x9: {  	[smem:$0x3FAC] =	sst s1  }
0xa: {  	[smem:$0x3FAD] =	sst s2  }
0xb: {  	[smem:$0x3FAE] =	sst s3  }
0xc: {  	[smem:$0x3FAF] =	sst s4  }
0xd: {  	[smem:$0x3FB0] =	sst s5  }
0xe: {  	[smem:$0x3FB1] =	sst s6  }
0xf: {  	[smem:$0x3FB2] =	sst s7  }
0x10: {  	[smem:$0x3FB3] =	sst s8  }
0x11: {  	[smem:$0x3FB4] =	sst s9;
	s0 =	simm.s32 @!p0 $0x0  }
0x12: {  	s1 =	sld [smem:$0x3F9A];
	s0 =	simm.s32 @p0 $0x1  }
0x13: {  	[smem:$0x3FB5] =	sst s0;
	s0 =	simm.s32 @!p1 $0x0  }
0x14: {  	s2 =	sld [smem:$0x3F99];
	s0 =	simm.s32 @p1 $0x1  }
0x15: {  	[smem:$0x3FB6] =	sst s0;
	s0 =	simm.s32 @!p2 $0x0  }
0x16: {  	s3 =	sld [smem:$0x3FDB];
	s0 =	simm.s32 @p2 $0x1  }
0x17: {  	s4 =	simm.s32 $0x1BF5;
	[smem:$0x3FB8] =	sst s0  }
0x18: {  	s0 =	sld [smem:$0x3F9B];
	_ =	swait.ge [sflag:s4], $0x0  }
0x19: {  	s7 =	sld [smem:$0x3F9C]  }
0x1a: {  	s8 =	sadd.s32 $0xFFFFE003, lr  }
0x1b: {  	s9 =	sadd.s32 $0xFFFFFEF7, lr;
	s5 =	simm.s32 $0xFFFFFFFF;
	p2 =	slt.u32 s8, $0xFFFFF086  }
0x1c: {  	p1 =	slt.u32 s9, $0xF7A;
	s5 =	simm.s32 @!p2 $0x0  }
0x1d: {  	s5 =	simm.s32 @p1 $0x1;
	p0 =	seq.s32 s7, s2  }
0x1e: {  	s7 =	smul.u32 @!p0 $0xF7A, s2;
	p2 =	seq.s32 @!p0 s5, $0x0  }
0x1f: {  	s9 =	smul.u32 $0xF7A, s1;
	s8 =	simm.s32 @!p0 $0x1BF5;
	p2 =	por !p2, p0  }
0x20: {  	[sflag:s8] =	ssyncset.s32 @!p0 $0xFFFFF086;
	s6 =	sadd.s32 @!p0 s3, s7;
	s7 =	simm.s32 @!p0 $0x108  }
0x21: {  	s3 =	sadd.s32 s3, s9;
	s6 =	sadd.s32 @!p0 $0x88, s6;
	s7 =	simm.s32 @p2 $0x1082  }
0x22: {  	[simem:s7], [sflag:s8] =	dma.local @!p0 [hbm:s6], $0xF7A  }
0x23: {  	s9 =	sor.u32 $0xD0000000, s2;
	s6 =	simm.s32 $0x108;
	_ =	swait.ge @!p0 [sflag:s8], $0x0  }
0x24: {  	s3 =	sadd.s32 $0x88, s3;
	s6 =	simm.s32 @!p1 $0x1082;
	[sflag:s4] =	ssyncset.s32 $0xFFFFF086  }
0x25: {  	[simem:s6], [sflag:s4] =	dma.local [hbm:s3], $0xF7A  }
0x26: {  	[smem:$0x3F9C] =	sst s1;
	(tag) =	ssettag s2;
	_ =	strace s9  }
0x27: {  	s1 =	sld [smem:$0x3FAC]  }
0x28: {  	s2 =	sld [smem:$0x3FAD]  }
0x29: {  	s4 =	sld [smem:$0x3FAF]  }
0x2a: {  	p0 =	seq.s32 s5, $0x0;
	s5 =	sld [smem:$0x3FB0]  }
0x2b: {  	s6 =	sld [smem:$0x3FB1]  }
0x2c: {  	s7 =	sld [smem:$0x3FB2]  }
0x2d: {  	s3 =	simm.s32 $0x108;
	s8 =	sld [smem:$0x3FB3]  }
0x2e: {  	s3 =	simm.s32 @!p0 $0x1082;
	s9 =	sld [smem:$0x3FB4]  }
0x2f: {  	lr =	sadd.s32 s0, s3;
	s0 =	sld [smem:$0x3FAB]  }
0x30: {  	s3 =	sld [smem:$0x3FAE]  }
0x31: {  	[smem:$0x3FB7] =	sst s10  }
0x32: {  	s10 =	sld [smem:$0x3FB5];
	_ =	sdelay $0x3  }
0x33: {  	p0 =	seq.s32 s10, $0x1;
	s10 =	sld [smem:$0x3FB7];
	_ =	sdelay $0x3  }
0x34: {  	[smem:$0x3FB7] =	sst s10  }
0x35: {  	s10 =	sld [smem:$0x3FB6];
	_ =	sdelay $0x3  }
0x36: {  	p1 =	seq.s32 s10, $0x1;
	s10 =	sld [smem:$0x3FB7];
	_ =	sdelay $0x3  }
0x37: {  	[smem:$0x3FB7] =	sst s10  }
0x38: {  	s10 =	sld [smem:$0x3FB8]  }
0x39: {  	_ = 	snop;
	(pc) =	sbr.ind lr, $3  }
0x3a: {  	_ = 	snop  }
0x3b: {  	_ = 	snop  }
0x3c: {  	p2 =	seq.s32 s10, $0x1;
	s10 =	sld [smem:$0x3FB7]  }
0x3d: {  	_ =	shalt  }
0x3e: {  	_ =	shalt  }
0x3f: {  	_ =	shalt  }
0x40: {  	_ =	shalt  }
0x41: {  	_ =	shalt  }
0x42: {  	_ =	shalt  }
0x43: {  	_ =	shalt  }
0x44: {  	_ =	shalt  }
0x45: {  	_ =	shalt  }
0x46: {  	_ =	shalt  }
0x47: {  	_ =	shalt  }
0x48: {  	_ =	shalt  }
0x49: {  	_ =	shalt  }
0x4a: {  	_ =	shalt  }
0x4b: {  	_ =	shalt  }
0x4c: {  	_ =	shalt  }
0x4d: {  	_ =	shalt  }
0x4e: {  	_ =	shalt  }
0x4f: {  	_ =	shalt  }
0x50: {  	_ =	shalt  }
0x51: {  	_ =	shalt  }
0x52: {  	_ =	shalt  }
0x53: {  	_ =	shalt  }
0x54: {  	_ =	shalt  }
0x55: {  	_ =	shalt  }
0x56: {  	_ =	shalt  }
0x57: {  	_ =	shalt  }
0x58: {  	_ =	shalt  }
0x59: {  	_ =	shalt  }
0x5a: {  	_ =	shalt  }
0x5b: {  	_ =	shalt  }
0x5c: {  	_ =	shalt  }
0x5d: {  	_ =	shalt  }
0x5e: {  	_ =	shalt  }
0x5f: {  	_ =	shalt  }
0x60: {  	_ =	shalt  }
0x61: {  	_ =	shalt  }
0x62: {  	_ =	shalt  }
0x63: {  	_ =	shalt  }
0x64: {  	_ =	shalt  }
0x65: {  	_ =	shalt  }
0x66: {  	_ =	shalt  }
0x67: {  	_ =	shalt  }
0x68: {  	_ =	shalt  }
0x69: {  	_ =	shalt  }
0x6a: {  	_ =	shalt  }
0x6b: {  	_ =	shalt  }
0x6c: {  	_ =	shalt  }
0x6d: {  	_ =	shalt  }
0x6e: {  	_ =	shalt  }
0x6f: {  	_ =	shalt  }
0x70: {  	_ =	shalt  }
0x71: {  	_ =	shalt  }
0x72: {  	_ =	shalt  }
0x73: {  	_ =	shalt  }
0x74: {  	_ =	shalt  }
0x75: {  	_ =	shalt  }
0x76: {  	_ =	shalt  }
0x77: {  	_ =	shalt  }
0x78: {  	_ =	shalt  }
0x79: {  	_ =	shalt  }
0x7a: {  	_ =	shalt  }
0x7b: {  	_ =	shalt  }
0x7c: {  	_ =	shalt  }
0x7d: {  	_ =	shalt  }
0x7e: {  	_ =	shalt  }
0x7f: {  	_ =	shalt  }
0x80: {  	_ =	shalt  }
0x81: {  	_ =	shalt  }
0x82: {  	_ =	shalt  }
0x83: {  	_ =	shalt  }
0x84: {  	_ =	shalt  }
0x85: {  	_ =	shalt  }
0x86: {  	_ =	shalt  }
0x87: {  	_ =	shalt  }
.Lfunc_end0:
.L_simem_size_0:
called_computation_lowered:
.L_overlay_start_0:
0x88: {  	s2 =	sld [smem:$0x3FD9]  }
0x89: {  	s3 =	sld [smem:$0x3FFE];
	_ =	sdelay $0x1  }
0x8a: {  	s1 =	srdreg.scid  }
0x8b: {  	s0 =	sand.u32 $0x1, s1  }
0x8c: {  	s17 =	sshll.u32 s0, $0xA;
	s2 =	sadd.s32 s3, s2  }
0x8d: {  	s2 =	sadd.s32 s2, s17  }
0x8e: {  	[smem:$0x3FC3] =	sst s2  }
0x8f: {  	_ = 	snop  }
0x90: {  	s2 =	sld [smem:$0x3FC9]  }
0x91: {  	s18 =	sld [smem:$0x3FC8]  }
0x92: {  	s4 =	sld [smem:$0x3FC6]  }
0x93: {  	s5 =	sld [smem:$0x3FD0];
	(tm) =	ssettm $0x1  }
0x94: {  	s6 =	sld [smem:$0x3FFB];
	_ =	sdelay $0x3  }
0x95: {  	_ =	strace s6  }
0x96: {  	s6 =	sld [smem:$0x3FFC];
	_ =	sdelay $0x3  }
0x97: {  	_ =	strace s6  }
0x98: {  	s6 =	sld [smem:$0x3FFD];
	_ =	sdelay $0x3  }
0x99: {  	_ =	strace s6  }
0x9a: {  	_ =	strace $0x8FFFFFFF  }
0x9b: {  	s19 =	sld [smem:$0x3FDB];
	_ =	sdelay $0x1  }
0x9c: {  	s7 =	simm.s32 $_scs_section_size  }
0x9d: {  	s8 =	simm.s32 $_size__tile_overlayer_lowered;
	s9 =	simm.s32 $_tile_overlayer_lowered  }
0x9e: {  	s22 =	simm.s32 $0x1BFF;
	s21 =	sshll.u32 s9, $0x1;
	s6 =	sadd.s32 s7, s19  }
0x9f: {  	s10 =	simm.s32 $0x0;
	s20 =	sshll.u32 s8, $0x1;
	s8 =	sadd.s32 s21, s6  }
0xa0: {  	[timem:s10], [sflag:s22] =	dma.local [hbm:s8], s20  }
0xa1: {  	_ =	swait.ge [sflag:s22], s20  }
0xa2: {  	s7 =	ssub.s32 $0x0, s20;
	[sflag:s22] =	ssyncset.done $0x0  }
0xa3: {  	[sflag:s22] =	ssyncadd.s32 s7;
	_ =	sdelay $0x1  }
0xa4: {  	s23 =	simm.s32 $0x1B8B  }
0xa5: {  	_ =	swait.ge [sflag:s23], $0x1  }
0xa6: {  	[sflag:s23] =	ssyncset.done $0x0  }
0xa7: {  	s25 =	simm.s32 $0x1B8E;
	s24 =	sld [smem:$0x3FFE];
	[sflag:s23] =	ssyncadd.s32 $0xFFFFFFFF  }
0xa8: {  	s26 =	simm.s32 $execute0_lowered;
	[smem:$0x3FD2] =	sst s25  }
0xa9: {  	s8 =	sshll.u32 s26, $0x1;
	_ =	strace $0x80000046;
	[dreg:$0x1] =	wrdreg $0xFFFFFFFF  }
0xaa: {  	s28 =	simm.s32 $_size_execute0_lowered;
	s6 =	sadd.s32 s6, s8;
	[dreg:$0x0] =	wrdreg $0x0  }
0xab: {  	s8 =	sshll.u32 s28, $0x1;
	[dreg:$0x2] =	wrdreg s6  }
0xac: {  	[dreg:$0x3] =	wrdreg s8  }
0xad: {  	[dreg:$0x4] =	wrdreg $0xC0  }
0xae: {  	_ =	task [dreg:s10], $0x5FFFF  }
0xaf: {  	[dreg:$0x1] =	wrdreg $0xFFFFFFFF  }
0xb0: {  	[dreg:$0x0] =	wrdreg $0x60  }
0xb1: {  	[dreg:$0x2] =	wrdreg s2  }
0xb2: {  	[dreg:$0x3] =	wrdreg s18  }
0xb3: {  	[dreg:$0x4] =	wrdreg s24  }
0xb4: {  	[dreg:$0x5] =	wrdreg s5  }
0xb5: {  	[dreg:$0x6] =	wrdreg s4  }
0xb6: {  	[dreg:$0x7] =	wrdreg $0x9  }
0xb7: {  	_ =	task.clear_ibuf [dreg:s10], $0x8FFFF;
	_ =	strace $0x90000046  }
0xb8: {  	s29 =	simm.s32 $0x9;
	_ =	strace $0x80000048  }
0xb9: {  	_ =	swait.ge [sflag:s29], $0x1  }
0xba: {  	[sflag:s29] =	ssyncadd.s32 $0xFFFFFFFF  }
0xbb: {  	_ =	strace $0x90000048  }
0xbc: {  	_ =	sfence  }
0xbd: {  	s30 =	sld [smem:$0x0];
	_ =	sdelay $0x2  }
0xbe: {  	s31 =	sshll.u32 s1, $0xD;
	s1 =	sshrl.u32 s1, $0x2  }
0xbf: {  	s3 =	sand.u32 $0x4000, s31;
	s1 =	sadd.s32 s1, s30  }
0xc0: {  	s0 =	sor.u32 s3, s0;
	s1 =	sshll.u32 s1, $0x11  }
0xc1: {  	s0 =	sor.u32 s1, s0  }
0xc2: {  	s0 =	sadd.s32 $0x8F2B, s0  }
0xc3: {  	[sflag:s0] =	ssyncadd.remote.s32 $0x1  }
0xc4: {  	_ =	sfence.sel $0xFFFF  }
0xc5: {  	[dreg:$0x0] =	wrdreg $0xFFFFFFFF;
	(pc) =	sbr.abs _section_cstart, $3  }
0xc6: {  	[dreg:$0x1] =	wrdreg $0xFFFFFFFF  }
0xc7: {  	_ =	task.clear_ibuf [dreg:s10], $0x2FFFF;
	_ =	strace $0x9FFFFFFF  }
0xc8: {  	(tm) =	ssettm $0x7FFFFFFF  }
0xc9: {  	_ =	shalt  }
tec
execute0_lowered:
.L_overlay_start_1:
0x0: {  	(tag) =	ssettag $0x1  }
0x1: {  	s5 =	rddreg [dreg:$0x0]  }
0x2: {  	s6 =	rddreg [dreg:$0x1]  }
0x3: {  	s7 =	rddreg [dreg:$0x2];
	s1 =	srdreg.scid  }
0x4: {  	s10 =	rddreg [dreg:$0x3];
	s0 =	stileid.u32  }
0x5: {  	s2 =	rddreg [dreg:$0x4];
	s3 =	simm.s32 $0x0;
	s15 =	simm.s32 $0x1000  }
0x6: {  	s16 =	simm.s32 $0x1;
	s17 =	simm.s32 $0x1280;
	s18 =	simm.s32 $0x9280  }
0x7: {  	s19 =	simm.s32 $0x2;
	s4 =	sand.u32 $0x1, s1;
	s1 =	rddreg [dreg:$0x5]  }
0x8: {  	s20 =	simm.s32 $0x0;
	s8 =	sshll.u32 s0, $0xA;
	[smem:$0x7FF] =	sst s3  }
0x9: {  	s9 =	sshll.u32 s4, $0x9;
	_ =	strace $0x80000047;
	s12 =	ssub.s32 $0x2, s4  }
0xa: {  	s4 =	sadd.s32 $0x600, s7;
	s8 =	sor.u32 s9, s8;
	s13 =	sshrl.u32 s12, $0x1  }
0xb: {  	s11 =	sshrl.u32 s8, $0x3;
	s8 =	sshll.u32 s8, $0x4;
	s13 =	ssub.s32 s12, s13  }
0xc: {  	s31 =	sadd.s32 s11, s7;
	s14 =	sadd.s32 s8, s7;
	s5 =	sadd.s32 s5, s11  }
0xd: {  	s6 =	sadd.s32 s6, s11;
	s10 =	sadd.s32 s10, s11;
	s13 =	smax.u32 s13, $0x1  }
0xe: {  	v0 =	vlaneseq.u32;
	s7 =	sadd.s32 $0x1800, s31;
	s8 =	sadd.s32 $0x1000, s31;
	s9 =	sadd.s32 $0x800, s31  }
0xf: {  	v1 =	vimm.s32 $0xFFFFFF81;
	v0 =	vmul.u32 $0x80, v0;
	s11 =	sadd.s32 $0x2000, s14;
	s12 =	sadd.s32 $0x3000, s14;
	s14 =	simm.s32 $0xC00  }
.LBB2_1:
0x10: {  	[tilespmem:s3], [sflag:$0x1] =	stream.linear.gather [hbm4b:s5+s3], $0x200, $0x38;
	[tilespmem:$0x11280] =	vst v63  }
0x11: {  	s21 =	simm.s32 $0x200  }
0x12: {  	[tilespmem:s21], [sflag:$0x1] =	stream.linear.gather [hbm4b:s6+s3], $0x200, $0x38;
	[tilespmem:$0x11280] =	vst v63  }
0x13: {  	s22 =	simm.s32 $0x400  }
0x14: {  	[tilespmem:s22], [sflag:$0x1] =	stream.linear.gather [hbm4b:s7+s3], $0x200, $0x38;
	[tilespmem:$0x11280] =	vst v63  }
0x15: {  	s23 =	simm.s32 $0x600  }
0x16: {  	[tilespmem:s23], [sflag:$0x1] =	stream.linear.gather [hbm4b:s8+s3], $0x200, $0x38;
	[tilespmem:$0x11280] =	vst v63  }
0x17: {  	s24 =	simm.s32 $0x800  }
0x18: {  	[tilespmem:s24], [sflag:$0x1] =	stream.linear.gather [hbm4b:s9+s3], $0x200, $0x38;
	[tilespmem:$0x11280] =	vst v63  }
0x19: {  	s25 =	simm.s32 $0xA00  }
0x1a: {  	[tilespmem:s25], [sflag:$0x1] =	stream.linear.gather [hbm4b:s10+s3], $0x200, $0x38;
	[tilespmem:$0x11280] =	vst v63  }
0x1b: {  	_ = 	snop  }
0x1c: {  	[tilespmem:s14], [sflag:$0x1] =	stream.linear.gather [hbm4b:s2+s3], $0x280, $0x38;
	[tilespmem:$0x11280] =	vst v63  }
0x1d: {  	_ = 	snop  }
0x1e: {  	[tilespmem:s15], [sflag:$0x1] =	stream.linear.gather [hbm4b:s4+s3], $0x280, $0x38;
	[tilespmem:$0x11280] =	vst v63  }
0x1f: {  	_ =	swait.ge [sflag:s16], $0x200  }
0x20: {  	[sflag:s16] =	ssyncset.done $0x0  }
0x21: {  	[sflag:s16] =	ssyncadd.s32 $0xFFFFFE00  }
0x22: {  	_ =	swait.ge [sflag:s16], $0x200  }
0x23: {  	[sflag:s16] =	ssyncset.done $0x0  }
0x24: {  	[sflag:s16] =	ssyncadd.s32 $0xFFFFFE00  }
0x25: {  	_ =	swait.ge [sflag:s16], $0x200  }
0x26: {  	[sflag:s16] =	ssyncset.done $0x0  }
0x27: {  	[sflag:s16] =	ssyncadd.s32 $0xFFFFFE00  }
0x28: {  	_ =	swait.ge [sflag:s16], $0x200  }
0x29: {  	[sflag:s16] =	ssyncset.done $0x0  }
0x2a: {  	[sflag:s16] =	ssyncadd.s32 $0xFFFFFE00  }
0x2b: {  	_ =	swait.ge [sflag:s16], $0x200  }
0x2c: {  	[sflag:s16] =	ssyncset.done $0x0  }
0x2d: {  	[sflag:s16] =	ssyncadd.s32 $0xFFFFFE00  }
0x2e: {  	_ =	swait.ge [sflag:s16], $0x200  }
0x2f: {  	[sflag:s16] =	ssyncset.done $0x0  }
0x30: {  	[sflag:s16] =	ssyncadd.s32 $0xFFFFFE00  }
0x31: {  	_ =	swait.ge [sflag:s16], $0x280  }
0x32: {  	[sflag:s16] =	ssyncset.done $0x0  }
0x33: {  	[sflag:s16] =	ssyncadd.s32 $0xFFFFFD80  }
0x34: {  	_ =	swait.ge [sflag:s16], $0x280  }
0x35: {  	[sflag:s16] =	ssyncset.done $0x0  }
0x36: {  	[sflag:s16] =	ssyncadd.s32 $0xFFFFFD80  }
0x37: {  	v2 =	vld [tilespmem:s21+$0x0];
	_ =	sdelay $0x4  }
0x38: {  	v3 =	vsub.f32 $2.000000000e+00, v2;
	_ =	sdelay $0x1  }
0x39: {  	v2 =	vmul.f32 v3, v2;
	_ =	sdelay $0x1  }
0x3a: {  	v3 =	vand.u32 $0x7FFFFF, v2  }
0x3b: {  	v3 =	vor.u32 $0x3F800000, v3  }
0x3c: {  	v4 =	vmul.f32 $5.000000000e-01, v3  }
0x3d: {  	vm0 =	vgt.f32 v3, $1.414213540e+00  }
0x3e: {  	v3 =	vsel vm0, v4, v3  }
0x3f: {  	v4 =	vadd.f32 $-1.000000000e+00, v3;
	_ =	sdelay $0x1  }
0x40: {  	v3 =	vmul.f32 $1.144843550e-01, v4;
	_ =	sdelay $0x1  }
0x41: {  	v3 =	vadd.f32 $-1.862769720e-01, v3;
	_ =	sdelay $0x1  }
0x42: {  	v3 =	vmul.f32 v3, v4  }
0x43: {  	v5 =	vld [tilespmem:s22+$0x0]  }
0x44: {  	v3 =	vadd.f32 $2.061178540e-01, v3  }
0x45: {  	v6 =	vld [tilespmem:s23+$0x0]  }
0x46: {  	v3 =	vmul.f32 v3, v4;
	_ =	sdelay $0x1  }
0x47: {  	v7 =	vld [tilespmem:s24+$0x0];
	v5 =	vmul.u32 $0x5, v5;
	v3 =	vadd.f32 $-2.491120990e-01, v3;
	_ =	sdelay $0x1  }
0x48: {  	v8 =	vld [tilespmem:s3+$0x0];
	v5 =	vadd.s32 v6, v5;
	v3 =	vmul.f32 v3, v4  }
0x49: {  	v6 =	vld [tilespmem:s25+$0x0];
	v5 =	vmul.u32 $0x5, v5  }
0x4a: {  	v3 =	vadd.f32 $3.330481350e-01, v3  }
0x4b: {  	s26 =	simm.s32 $0x210;
	v5 =	vadd.s32 v7, v5  }
0x4c: {  	v7 =	vld [tilespmem:s26+$0x0];
	v5 =	vmul.u32 $0x5, v5;
	v3 =	vmul.f32 v3, v4  }
0x4d: {  	v9 =	vshll.u32 v8, $0x7  }
0x4e: {  	v5 =	vadd.s32 v6, v5;
	v3 =	vadd.f32 $-5.000129340e-01, v3  }
0x4f: {  	v6 =	vor.u32 $0x1, v9  }
0x50: {  	v10 =	vor.u32 $0x4, v9;
	v3 =	vmul.f32 v3, v4  }
0x51: {  	v11 =	vsub.f32 $2.000000000e+00, v7  }
0x52: {  	v2 =	vshra.s32 v2, $0x17;
	v12 =	vsel vm0, $0xFFFFFF82, v1;
	v9 =	vld.idx.msk [tilespmem:v9+s14+$0x0], $0xffff;
	v13 =	vadd.f32 $1.000003100e+00, v3  }
0x53: {  	v2 =	vadd.s32 v2, v12;
	v7 =	vmul.f32 v11, v7;
	v5 =	vld.idx.msk [tilespmem:v5+s15+$0x0], $0xffff  }
0x54: {  	v3 =	vld.idx.msk [tilespmem:v6+s14+$0x0], $0xffff;
	v6 =	vcvt.s32.f32 v2;
	v4 =	vmul.f32 v13, v4  }
0x55: {  	v2 =	vld.idx.msk [tilespmem:v10+s14+$0x0], $0xffff  }
0x56: {  	v10 =	vand.u32 $0x7FFFFF, v7;
	v6 =	vmul.f32 $6.931471820e-01, v6;
	v4 =	vadd.f32 $3.342326950e-08, v4  }
0x57: {  	v10 =	vor.u32 $0x3F800000, v10  }
0x58: {  	vm1 =	veq.s32 v8, $0x0;
	v8 =	vmul.f32 $5.000000000e-01, v10;
	v4 =	vadd.f32 v4, v6  }
0x59: {  	v5 =	vsel vm1, v5, v9;
	vm0 =	vgt.f32 v10, $1.414213540e+00  }
0x5a: {  	v6 =	vsel vm0, v8, v10;
	v8 =	vmax.f32 v5, v3;
	v9 =	vmax.f32 v4, v2  }
0x5b: {  	v10 =	vadd.f32 $-1.000000000e+00, v6;
	v6 =	vmax.f32 v8, v9  }
0x5c: {  	v6 =	vmax.f32 v6, $0.0e+00  }
0x5d: {  	v9 =	vsub.f32 v5, v6  }
0x5e: {  	v8 =	vmul.f32 $1.144843550e-01, v10;
	v11 =	vsub.f32 v3, v6  }
0x5f: {  	v9 =	vmul.f32 $1.442695020e+00, v9  }
0x60: {  	v8 =	vadd.f32 $-1.862769720e-01, v8;
	v11 =	vmul.f32 $1.442695020e+00, v11  }
0x61: {  	s22 =	simm.s32 $0x410;
	v12 =	vsub.f32 $0.0e+00, v6;
	(erf) = vpow2.f32 v9  }
0x62: {  	v8 =	vmul.f32 v8, v10;
	(erf) = vpow2.f32 v11;
	v11 =	vld [tilespmem:s22+$0x0]  }
0x63: {  	v9 =	vmul.f32 $1.442695020e+00, v12;
	v12 =	vsub.f32 v4, v6  }
0x64: {  	s23 =	simm.s32 $0x610;
	v8 =	vadd.f32 $2.061178540e-01, v8  }
0x65: {  	v13 =	vsub.f32 v2, v6;
	v12 =	vmul.f32 $1.442695020e+00, v12;
	(erf) = vpow2.f32 v9;
	v9 =	vld [tilespmem:s23+$0x0]  }
0x66: {  	v8 =	vmul.f32 v8, v10  }
0x67: {  	s24 =	simm.s32 $0x810;
	v13 =	vmul.f32 $1.442695020e+00, v13;
	(erf) = vpow2.f32 v12;
	v11 =	vmul.u32 $0x5, v11  }
0x68: {  	v12 =	vld [tilespmem:s24+$0x0];
	v8 =	vadd.f32 $-2.491120990e-01, v8  }
0x69: {  	s21 =	simm.s32 $0x10;
	(erf) = vpow2.f32 v13  }
0x6a: {  	s25 =	simm.s32 $0xA10;
	v13 =	vld [tilespmem:s21+$0x0];
	v8 =	vmul.f32 v8, v10;
	v9 =	vadd.s32 v9, v11  }
0x6b: {  	v14 =	vld [tilespmem:s25+$0x0];
	v9 =	vmul.u32 $0x5, v9;
	v11 =	vpop (erf)  }
0x6c: {  	s26 =	simm.s32 $0x220;
	v8 =	vadd.f32 $3.330481350e-01, v8;
	v15 =	vpop (erf)  }
0x6d: {  	v16 =	vld [tilespmem:s26+$0x0];
	v9 =	vadd.s32 v12, v9;
	v11 =	vadd.f32 v15, v11  }
0x6e: {  	v8 =	vmul.f32 v8, v10;
	v12 =	vpop (erf);
	v9 =	vmul.u32 $0x5, v9  }
0x6f: {  	v11 =	vadd.f32 v11, v12;
	v12 =	vshll.u32 v13, $0x7  }
0x70: {  	v8 =	vadd.f32 $-5.000129340e-01, v8;
	v15 =	vpop (erf);
	v9 =	vadd.s32 v14, v9  }
0x71: {  	v11 =	vadd.f32 v11, v15;
	v15 =	vor.u32 $0x1, v12  }
0x72: {  	v14 =	vsub.f32 $2.000000000e+00, v16;
	v17 =	vpop (erf);
	v8 =	vmul.f32 v8, v10;
	v18 =	vor.u32 $0x4, v12  }
0x73: {  	v7 =	vshra.s32 v7, $0x17;
	v17 =	vadd.f32 v11, v17;
	v11 =	vsel vm0, $0xFFFFFF82, v1  }
0x74: {  	v19 =	vmul.f32 v14, v16;
	v12 =	vld.idx.msk [tilespmem:v12+s14+$0x0], $0xffff;
	v7 =	vadd.s32 v7, v11;
	v11 =	vadd.f32 $1.000003100e+00, v8  }
0x75: {  	v14 =	vld.idx.msk [tilespmem:v9+s15+$0x0], $0xffff;
	v8 =	vand.u32 $0x7FFFFF, v17;
	v9 =	vcvt.s32.f32 v7  }
0x76: {  	v7 =	vand.u32 $0x7FFFFF, v19;
	v16 =	vor.u32 $0x3F800000, v8;
	v8 =	vld.idx.msk [tilespmem:v15+s14+$0x0], $0xffff;
	v10 =	vmul.f32 v11, v10  }
0x77: {  	s24 =	simm.s32 $0x420;
	vm0 =	veq.s32 v13, $0x0;
	v15 =	vor.u32 $0x3F800000, v7;
	v7 =	vld.idx.msk [tilespmem:v18+s14+$0x0], $0xffff;
	v11 =	vmul.f32 $5.000000000e-01, v16  }
0x78: {  	v23 =	vld [tilespmem:s24+$0x0];
	vm2 =	vgt.f32 v16, $1.414213540e+00;
	v9 =	vmul.f32 $6.931471820e-01, v9;
	v10 =	vadd.f32 $3.342326950e-08, v10  }
0x79: {  	s25 =	simm.s32 $0x620;
	vm1 =	vgt.f32 v15, $1.414213540e+00;
	v11 =	vsel vm2, v11, v16;
	v16 =	vmul.f32 $5.000000000e-01, v15  }
0x7a: {  	v25 =	vld [tilespmem:s25+$0x0];
	v21 =	vadd.f32 $-1.000000000e+00, v11;
	v9 =	vadd.f32 v10, v9;
	v10 =	vsel vm0, v14, v12  }
0x7b: {  	v11 =	vsel vm1, v16, v15;
	v13 =	vmax.f32 v10, v8  }
0x7c: {  	v12 =	vmul.f32 $1.144843550e-01, v21;
	v18 =	vadd.f32 $-1.000000000e+00, v11;
	v11 =	vmax.f32 v9, v7  }
0x7d: {  	v23 =	vmul.u32 $0x5, v23;
	v11 =	vmax.f32 v13, v11  }
0x7e: {  	v12 =	vadd.f32 $-1.862769720e-01, v12;
	v11 =	vmax.f32 v11, $0.0e+00  }
0x7f: {  	v23 =	vadd.s32 v25, v23;
	v14 =	vsub.f32 v10, v11  }
0x80: {  	s26 =	simm.s32 $0x820;
	v23 =	vmul.u32 $0x5, v23;
	v16 =	vsub.f32 v8, v11;
	v12 =	vmul.f32 v12, v21  }
0x81: {  	v28 =	vld [tilespmem:s26+$0x0];
	v15 =	vmov s3;
	v13 =	vmul.f32 $1.144843550e-01, v18;
	v14 =	vmul.f32 $1.442695020e+00, v14  }
0x82: {  	v15 =	vshll.u32 v15, $0x7;
	v16 =	vmul.f32 $1.442695020e+00, v16;
	v20 =	vadd.f32 $2.061178540e-01, v12  }
0x83: {  	v22 =	vsub.f32 $0.0e+00, v11;
	v13 =	vadd.f32 $-1.862769720e-01, v13;
	(erf) = vpow2.f32 v14  }
0x84: {  	s28 =	simm.s32 $0xA20;
	v24 =	vsub.f32 v9, v11;
	v14 =	vmul.f32 v20, v21;
	(erf) = vpow2.f32 v16  }
0x85: {  	s22 =	simm.s32 $0x20;
	v25 =	vld [tilespmem:s28+$0x0];
	v22 =	vmul.f32 $1.442695020e+00, v22;
	v12 =	vor.u32 v0, v15;
	v15 =	vmul.f32 v13, v18  }
0x86: {  	s29 =	simm.s32 $0x230;
	v23 =	vadd.s32 v28, v23;
	v26 =	vsub.f32 v7, v11;
	v20 =	vld [tilespmem:s22+$0x0];
	v16 =	vadd.f32 $-2.491120990e-01, v14  }
0x87: {  	v27 =	vld [tilespmem:s29+$0x0];
	v24 =	vmul.f32 $1.442695020e+00, v24;
	v15 =	vadd.f32 $2.061178540e-01, v15;
	(erf) = vpow2.f32 v22  }
0x88: {  	v23 =	vmul.u32 $0x5, v23;
	v26 =	vmul.f32 $1.442695020e+00, v26;
	v16 =	vmul.f32 v16, v21  }
0x89: {  	v22 =	vmul.f32 v15, v18;
	(erf) = vpow2.f32 v24  }
0x8a: {  	v25 =	vadd.s32 v25, v23;
	v24 =	vadd.f32 $3.330481350e-01, v16  }
0x8b: {  	(erf) = vpow2.f32 v26;
	v22 =	vadd.f32 $-2.491120990e-01, v22;
	vm0 =	veq.s32 v20, $0x0  }
0x8c: {  	v26 =	vshll.u32 v20, $0x7;
	v20 =	vmul.f32 v24, v21;
	v24 =	vsub.f32 $2.000000000e+00, v27;
	v31 =	vpop (erf)  }
0x8d: {  	v19 =	vshra.s32 v19, $0x17;
	v17 =	vshra.s32 v17, $0x17;
	v30 =	vmul.f32 v22, v18;
	v28 =	vpop (erf)  }
0x8e: {  	v13 =	vor.u32 $0x1, v12;
	v32 =	vadd.f32 $-5.000129340e-01, v20;
	v28 =	vadd.f32 v28, v31  }
0x8f: {  	v14 =	vor.u32 $0x2, v12;
	v15 =	vor.u32 $0x3, v12;
	v30 =	vadd.f32 $3.330481350e-01, v30  }
0x90: {  	v16 =	vor.u32 $0x4, v12;
	v20 =	vmul.f32 v24, v27;
	v24 =	vpop (erf);
	v27 =	vmul.f32 v32, v21  }
0x91: {  	v23 =	vmul.f32 v30, v18;
	v30 =	vsel vm2, $0xFFFFFF82, v1;
	v24 =	vadd.f32 v28, v24  }
0x92: {  	v29 =	vor.u32 $0x1, v26;
	v22 =	vor.u32 $0x4, v26;
	v28 =	vpop (erf);
	v27 =	vadd.f32 $1.000003100e+00, v27  }
0x93: {  	v17 =	vadd.s32 v17, v30;
	v23 =	vadd.f32 $-5.000129340e-01, v23;
	v24 =	vadd.f32 v24, v28  }
0x94: {  	v31 =	vcvt.s32.f32 v17;
	v28 =	vand.u32 $0x7FFFFF, v20;
	v30 =	vpop (erf);
	v27 =	vmul.f32 v27, v21  }
0x95: {  	v21 =	vor.u32 $0x3F800000, v28;
	v28 =	vmul.f32 v23, v18;
	v17 =	vadd.f32 v24, v30  }
0x96: {  	v31 =	vmul.f32 $6.931471820e-01, v31;
	v23 =	vld.idx.msk [tilespmem:v26+s14+$0x0], $0xffff;
	v26 =	vsel vm1, $0xFFFFFF82, v1;
	v30 =	vadd.f32 $3.342326950e-08, v27  }
0x97: {  	v24 =	vld.idx.msk [tilespmem:v25+s15+$0x0], $0xffff;
	v25 =	vadd.s32 v19, v26;
	v27 =	vadd.f32 $1.000003100e+00, v28;
	v26 =	vand.u32 $0x7FFFFF, v17  }
0x98: {  	s31 =	simm.s32 $0x40;
	s30 =	simm.s32 $0x20;
	s23 =	simm.s32 $0x30;
	v19 =	vld.idx.msk [tilespmem:v29+s14+$0x0], $0xffff;
	v25 =	vcvt.s32.f32 v25;
	v29 =	vor.u32 $0x3F800000, v26;
	v26 =	vadd.f32 v30, v31  }
.LBB2_2:
0x99: {  	p0 =	sne.s32 s31, $0xF0;
	vm1 =	vgt.f32 v21, $1.414213540e+00;
	v22 =	vld.idx.msk [tilespmem:v22+s14+$0x0], $0xffff;
	v18 =	vmul.f32 v27, v18;
	v27 =	vmul.f32 $5.000000000e-01, v29  }
0x9a: {  	v28 =	vmul.f32 $5.000000000e-01, v21;
	vm2 =	vgt.f32 v29, $1.414213540e+00;
	v26 =	vadd.f32 v26, v6;
	v6 =	vmovc v11  }
0x9b: {  	v11 =	vadd.f32 $3.342326950e-08, v18;
	v18 =	vmul.f32 $6.931471820e-01, v25;
	v25 =	vsel vm2, v27, v29  }
0x9c: {  	v27 =	vsel vm1, v28, v21;
	v21 =	vadd.f32 $-1.000000000e+00, v25;
	v25 =	vsub.f32 v5, v26;
	v5 =	vmovc v10  }
0x9d: {  	v10 =	vsel vm0, v24, v23;
	v23 =	vadd.f32 v11, v18;
	v11 =	vsub.f32 v3, v26;
	v3 =	vmovc v8  }
0x9e: {  	v24 =	vmax.f32 v10, v19;
	v8 =	vmovc v19;
	v28 =	vmul.f32 $1.144843550e-01, v21;
	[tilespmem:v12+s17+$0x0] =	vst.idx.msk $0xffff, v25;
	v12 =	vsub.f32 $0.0e+00, v26  }
0x9f: {  	v18 =	vadd.f32 $-1.000000000e+00, v27;
	v25 =	vsub.f32 v4, v26;
	v19 =	vmax.f32 v23, v22;
	[tilespmem:v13+s17+$0x0] =	vst.idx.msk $0xffff, v11  }
0xa0: {  	v11 =	vmax.f32 v24, v19;
	v13 =	vadd.f32 $-1.862769720e-01, v28;
	[tilespmem:v14+s17+$0x0] =	vst.idx.msk $0xffff, v12;
	v12 =	vsub.f32 v2, v26  }
0xa1: {  	v4 =	vmovc v9;
	v14 =	vmul.f32 $1.144843550e-01, v18;
	v2 =	vmovc v7;
	v7 =	vmov v22;
	v11 =	vmax.f32 v11, $0.0e+00;
	[tilespmem:v15+s17+$0x0] =	vst.idx.msk $0xffff, v25  }
0xa2: {  	v9 =	vmovc v23;
	v19 =	vmov s21;
	s21 =	smov.u32 s22;
	s22 =	smov.u32 s23;
	s23 =	smov.u32 s31;
	v15 =	vsub.f32 v10, v11;
	v13 =	vmul.f32 v13, v21;
	[tilespmem:v16+s17+$0x0] =	vst.idx.msk $0xffff, v12  }
0xa3: {  	v14 =	vadd.f32 $-1.862769720e-01, v14;
	v16 =	vsub.f32 v8, v11;
	v12 =	vshll.u32 v19, $0x7  }
0xa4: {  	v12 =	vor.u32 v0, v12;
	v15 =	vmul.f32 $1.442695020e+00, v15;
	v13 =	vadd.f32 $2.061178540e-01, v13  }
0xa5: {  	s24 =	sadd.s32 $0x10, s24;
	v19 =	vsub.f32 $0.0e+00, v11;
	v14 =	vmul.f32 v14, v18;
	v16 =	vmul.f32 $1.442695020e+00, v16  }
0xa6: {  	s30 =	sadd.s32 $0x10, s30;
	v22 =	vld [tilespmem:s24+$0x0];
	(erf) = vpow2.f32 v15;
	v15 =	vmul.f32 v13, v21;
	v13 =	vor.u32 $0x1, v12  }
0xa7: {  	s25 =	sadd.s32 $0x10, s25;
	v24 =	vsub.f32 v9, v11;
	v19 =	vmul.f32 $1.442695020e+00, v19;
	v23 =	vld [tilespmem:s30+$0x0];
	(erf) = vpow2.f32 v16  }
0xa8: {  	v16 =	vadd.f32 $2.061178540e-01, v14;
	v14 =	vor.u32 $0x2, v12;
	v25 =	vld [tilespmem:s25+$0x0];
	v15 =	vadd.f32 $-2.491120990e-01, v15  }
0xa9: {  	s29 =	sadd.s32 $0x10, s29;
	v26 =	vsub.f32 v7, v11;
	v24 =	vmul.f32 $1.442695020e+00, v24;
	(erf) = vpow2.f32 v19  }
0xaa: {  	s26 =	sadd.s32 $0x10, s26;
	v27 =	vmul.f32 v16, v18;
	v19 =	vld [tilespmem:s29+$0x0];
	v16 =	vmul.f32 v15, v21;
	v15 =	vor.u32 $0x3, v12  }
0xab: {  	v26 =	vmul.f32 $1.442695020e+00, v26;
	v22 =	vmul.u32 $0x5, v22;
	v28 =	vld [tilespmem:s26+$0x0];
	(erf) = vpow2.f32 v24  }
0xac: {  	vm0 =	veq.s32 v23, $0x0;
	v24 =	vadd.f32 $3.330481350e-01, v16;
	v16 =	vor.u32 $0x4, v12  }
0xad: {  	s28 =	sadd.s32 $0x10, s28;
	v22 =	vadd.s32 v25, v22;
	v25 =	vadd.f32 $-2.491120990e-01, v27;
	(erf) = vpow2.f32 v26  }
0xae: {  	v23 =	vshll.u32 v23, $0x7;
	v22 =	vmul.u32 $0x5, v22;
	v26 =	vld [tilespmem:s28+$0x0];
	v24 =	vmul.f32 v24, v21  }
0xaf: {  	v29 =	vor.u32 $0x1, v23;
	v27 =	vsub.f32 $2.000000000e+00, v19;
	v25 =	vmul.f32 v25, v18;
	v30 =	vpop (erf)  }
0xb0: {  	v28 =	vadd.s32 v28, v22;
	v22 =	vor.u32 $0x4, v23;
	v31 =	vpop (erf);
	v24 =	vadd.f32 $-5.000129340e-01, v24  }
0xb1: {  	v28 =	vmul.u32 $0x5, v28;
	v25 =	vadd.f32 $3.330481350e-01, v25;
	v30 =	vadd.f32 v31, v30  }
0xb2: {  	v31 =	vshra.s32 v20, $0x17;
	v20 =	vmul.f32 v27, v19;
	v19 =	vpop (erf);
	v24 =	vmul.f32 v24, v21  }
0xb3: {  	v26 =	vadd.s32 v26, v28;
	v25 =	vmul.f32 v25, v18;
	v19 =	vadd.f32 v30, v19  }
0xb4: {  	v17 =	vshra.s32 v17, $0x17;
	v30 =	vsel vm2, $0xFFFFFF82, v1;
	v27 =	vpop (erf);
	v24 =	vadd.f32 $1.000003100e+00, v24  }
0xb5: {  	v17 =	vadd.s32 v17, v30;
	v25 =	vadd.f32 $-5.000129340e-01, v25;
	v19 =	vadd.f32 v19, v27  }
.Ltmp0:
0xb6: {  	v27 =	vand.u32 $0x7FFFFF, v20;
	v30 =	vcvt.s32.f32 v17;
	v28 =	vpop (erf);
	v24 =	vmul.f32 v24, v21;
	(pc) =	sbr.rel @p0 .LBB2_2-.Ltmp0, $4  }
0xb7: {  	v21 =	vor.u32 $0x3F800000, v27;
	v25 =	vmul.f32 v25, v18;
	v17 =	vadd.f32 v19, v28  }
0xb8: {  	v19 =	vsel vm1, $0xFFFFFF82, v1;
	v30 =	vmul.f32 $6.931471820e-01, v30;
	v23 =	vld.idx.msk [tilespmem:v23+s14+$0x0], $0xffff;
	v28 =	vadd.f32 $3.342326950e-08, v24  }
0xb9: {  	v24 =	vld.idx.msk [tilespmem:v26+s15+$0x0], $0xffff;
	v26 =	vadd.s32 v31, v19;
	v27 =	vadd.f32 $1.000003100e+00, v25;
	v31 =	vand.u32 $0x7FFFFF, v17  }
0xba: {  	s31 =	sadd.s32 $0x10, s31;
	v19 =	vld.idx.msk [tilespmem:v29+s14+$0x0], $0xffff;
	v25 =	vcvt.s32.f32 v26;
	v29 =	vor.u32 $0x3F800000, v31;
	v26 =	vadd.f32 v28, v30  }
0xbb: {  	v28 =	vmul.f32 $5.000000000e-01, v21  }
0xbc: {  	vm1 =	vgt.f32 v21, $1.414213540e+00  }
0xbd: {  	v21 =	vsel vm1, v28, v21  }
0xbe: {  	v28 =	vadd.f32 $-1.000000000e+00, v21;
	_ =	sdelay $0x1  }
0xbf: {  	v21 =	vmul.f32 $1.144843550e-01, v28;
	_ =	sdelay $0x1  }
0xc0: {  	v21 =	vadd.f32 $-1.862769720e-01, v21;
	_ =	sdelay $0x1  }
0xc1: {  	s24 =	sadd.s32 $0x10, s24;
	v21 =	vmul.f32 v21, v28  }
0xc2: {  	v30 =	vld [tilespmem:s24+$0x0]  }
0xc3: {  	s31 =	sadd.s32 $0x10, s25;
	v21 =	vadd.f32 $2.061178540e-01, v21  }
0xc4: {  	v31 =	vld [tilespmem:s31+$0x0]  }
0xc5: {  	v21 =	vmul.f32 v21, v28  }
0xc6: {  	s25 =	sadd.s32 $0x10, s26  }
0xc7: {  	v32 =	vld [tilespmem:s25+$0x0];
	v30 =	vmul.u32 $0x5, v30;
	v21 =	vadd.f32 $-2.491120990e-01, v21  }
0xc8: {  	s26 =	sadd.s32 $0x10, s30  }
0xc9: {  	s28 =	sadd.s32 $0x10, s28;
	v33 =	vld [tilespmem:s26+$0x0];
	v30 =	vadd.s32 v31, v30;
	v21 =	vmul.f32 v21, v28  }
0xca: {  	v31 =	vld [tilespmem:s28+$0x0];
	v30 =	vmul.u32 $0x5, v30  }
0xcb: {  	v21 =	vadd.f32 $3.330481350e-01, v21  }
0xcc: {  	v27 =	vmul.f32 v27, v18;
	v30 =	vadd.s32 v32, v30  }
0xcd: {  	v18 =	vld.idx.msk [tilespmem:v22+s14+$0x0], $0xffff;
	v22 =	vmul.u32 $0x5, v30;
	v21 =	vmul.f32 v21, v28  }
0xce: {  	v25 =	vmul.f32 $6.931471820e-01, v25;
	v27 =	vadd.f32 $3.342326950e-08, v27;
	v30 =	vshll.u32 v33, $0x7  }
0xcf: {  	v22 =	vadd.s32 v31, v22;
	v31 =	vadd.f32 $-5.000129340e-01, v21  }
0xd0: {  	v21 =	vadd.f32 v27, v25;
	v25 =	vor.u32 $0x1, v30  }
0xd1: {  	v24 =	vsel vm0, v24, v23;
	v23 =	vor.u32 $0x4, v30;
	v27 =	vmul.f32 v31, v28  }
0xd2: {  	v20 =	vshra.s32 v20, $0x17;
	v34 =	vsel vm1, $0xFFFFFF82, v1  }
0xd3: {  	v30 =	vld.idx.msk [tilespmem:v30+s14+$0x0], $0xffff;
	v31 =	vmax.f32 v24, v19;
	v36 =	vmax.f32 v21, v18;
	v35 =	vadd.f32 $1.000003100e+00, v27  }
0xd4: {  	v20 =	vadd.s32 v20, v34;
	v27 =	vmax.f32 v31, v36;
	v31 =	vld.idx.msk [tilespmem:v22+s15+$0x0], $0xffff  }
0xd5: {  	v27 =	vmax.f32 v27, $0.0e+00;
	v22 =	vld.idx.msk [tilespmem:v25+s14+$0x0], $0xffff;
	v25 =	vcvt.s32.f32 v20;
	v28 =	vmul.f32 v35, v28  }
0xd6: {  	v20 =	vld.idx.msk [tilespmem:v23+s14+$0x0], $0xffff;
	v37 =	vsub.f32 v24, v27  }
0xd7: {  	v25 =	vmul.f32 $6.931471820e-01, v25;
	v23 =	vadd.f32 $3.342326950e-08, v28  }
0xd8: {  	v38 =	vsub.f32 $0.0e+00, v27;
	v28 =	vsub.f32 v19, v27;
	v32 =	vmul.f32 $1.442695020e+00, v37  }
0xd9: {  	vm0 =	veq.s32 v33, $0x0;
	v40 =	vsub.f32 v21, v27;
	v23 =	vadd.f32 v23, v25  }
0xda: {  	v28 =	vmul.f32 $1.442695020e+00, v28;
	(erf) = vpow2.f32 v32;
	v25 =	vsel vm0, v31, v30  }
0xdb: {  	v30 =	vmul.f32 $1.442695020e+00, v38;
	v31 =	vmax.f32 v25, v22;
	v39 =	vmax.f32 v23, v20  }
0xdc: {  	(erf) = vpow2.f32 v28;
	v28 =	vmax.f32 v31, v39;
	v31 =	vsub.f32 v18, v27  }
0xdd: {  	v41 =	vmul.f32 $1.442695020e+00, v40;
	v28 =	vmax.f32 v28, $0.0e+00  }
0xde: {  	(erf) = vpow2.f32 v30;
	v31 =	vmul.f32 $1.442695020e+00, v31;
	v42 =	vsub.f32 v22, v28  }
0xdf: {  	(erf) = vpow2.f32 v41;
	v30 =	vsub.f32 v25, v28  }
0xe0: {  	(erf) = vpow2.f32 v31;
	v31 =	vmul.f32 $1.442695020e+00, v42  }
0xe1: {  	v30 =	vmul.f32 $1.442695020e+00, v30  }
0xe2: {  	v43 =	vsub.f32 $0.0e+00, v28  }
0xe3: {  	(erf) = vpow2.f32 v30  }
0xe4: {  	v44 =	vsub.f32 v23, v28;
	v30 =	vmul.f32 $1.442695020e+00, v43;
	(erf) = vpow2.f32 v31;
	v31 =	vpop (erf)  }
0xe5: {  	v46 =	vsub.f32 v20, v28;
	v45 =	vpop (erf)  }
0xe6: {  	v32 =	vmul.f32 $1.442695020e+00, v44;
	(erf) = vpow2.f32 v30;
	v31 =	vadd.f32 v45, v31  }
0xe7: {  	v34 =	vmul.f32 $1.442695020e+00, v46  }
0xe8: {  	v30 =	vmul.f32 $5.000000000e-01, v29;
	v47 =	vpop (erf);
	(erf) = vpow2.f32 v32  }
0xe9: {  	vm2 =	vgt.f32 v29, $1.414213540e+00  }
0xea: {  	v29 =	vsel vm2, v30, v29;
	v30 =	vadd.f32 v31, v47;
	v31 =	vpop (erf);
	(erf) = vpow2.f32 v34  }
0xeb: {  	v48 =	vpop (erf)  }
0xec: {  	v29 =	vadd.f32 $-1.000000000e+00, v29;
	v49 =	vpop (erf)  }
0xed: {  	v30 =	vadd.f32 v30, v31;
	v50 =	vpop (erf)  }
0xee: {  	v31 =	vmul.f32 $1.144843550e-01, v29;
	v32 =	vadd.f32 v50, v49  }
0xef: {  	v30 =	vadd.f32 v30, v48;
	v52 =	vpop (erf)  }
0xf0: {  	v31 =	vadd.f32 $-1.862769720e-01, v31;
	v32 =	vadd.f32 v32, v52  }
0xf1: {  	v51 =	vand.u32 $0x7FFFFF, v30;
	v54 =	vpop (erf)  }
0xf2: {  	v31 =	vmul.f32 v31, v29;
	v33 =	vor.u32 $0x3F800000, v51;
	v32 =	vadd.f32 v32, v54  }
0xf3: {  	v53 =	vmul.f32 $5.000000000e-01, v33;
	v55 =	vpop (erf)  }
0xf4: {  	v31 =	vadd.f32 $2.061178540e-01, v31;
	vm1 =	vgt.f32 v33, $1.414213540e+00;
	v32 =	vadd.f32 v32, v55  }
0xf5: {  	v33 =	vsel vm1, v53, v33  }
0xf6: {  	v31 =	vmul.f32 v31, v29;
	v33 =	vadd.f32 $-1.000000000e+00, v33;
	v57 =	vand.u32 $0x7FFFFF, v32  }
0xf7: {  	v35 =	vor.u32 $0x3F800000, v57  }
0xf8: {  	v31 =	vadd.f32 $-2.491120990e-01, v31;
	v56 =	vmul.f32 $1.144843550e-01, v33;
	v36 =	vmul.f32 $5.000000000e-01, v35  }
0xf9: {  	vm0 =	vgt.f32 v35, $1.414213540e+00  }
0xfa: {  	v31 =	vmul.f32 v31, v29;
	v34 =	vadd.f32 $-1.862769720e-01, v56;
	v35 =	vsel vm0, v36, v35  }
0xfb: {  	v35 =	vadd.f32 $-1.000000000e+00, v35  }
0xfc: {  	v31 =	vadd.f32 $3.330481350e-01, v31;
	v34 =	vmul.f32 v34, v33  }
0xfd: {  	v58 =	vmul.f32 $1.144843550e-01, v35  }
0xfe: {  	v31 =	vmul.f32 v31, v29;
	v34 =	vadd.f32 $2.061178540e-01, v34  }
0xff: {  	v36 =	vadd.f32 $-1.862769720e-01, v58  }
0x100: {  	v6 =	vadd.f32 v26, v6;
	v31 =	vadd.f32 $-5.000129340e-01, v31;
	v34 =	vmul.f32 v34, v33  }
0x101: {  	v36 =	vmul.f32 v36, v35  }
0x102: {  	v5 =	vsub.f32 v5, v6;
	v31 =	vmul.f32 v31, v29;
	v34 =	vadd.f32 $-2.491120990e-01, v34  }
0x103: {  	v17 =	vshra.s32 v17, $0x17;
	v3 =	vsub.f32 v3, v6;
	v26 =	vadd.f32 $2.061178540e-01, v36  }
0x104: {  	v37 =	vsel vm2, $0xFFFFFF82, v1;
	v31 =	vadd.f32 $1.000003100e+00, v31;
	v34 =	vmul.f32 v34, v33  }
0x105: {  	v4 =	vsub.f32 v4, v6;
	v17 =	vadd.s32 v17, v37;
	v26 =	vmul.f32 v26, v35  }
0x106: {  	v17 =	vcvt.s32.f32 v17;
	v29 =	vmul.f32 v31, v29;
	v31 =	vadd.f32 $3.330481350e-01, v34  }
0x107: {  	v59 =	vmov s21;
	v2 =	vsub.f32 v2, v6;
	v26 =	vadd.f32 $-2.491120990e-01, v26  }
0x108: {  	v17 =	vmul.f32 $6.931471820e-01, v17;
	v29 =	vadd.f32 $3.342326950e-08, v29;
	v31 =	vmul.f32 v31, v33  }
0x109: {  	[tilespmem:v12+s17+$0x0] =	vst.idx.msk $0xffff, v5;
	v12 =	vmov s22;
	v30 =	vshra.s32 v30, $0x17;
	v26 =	vmul.f32 v26, v35  }
0x10a: {  	v60 =	vsel vm1, $0xFFFFFF82, v1;
	v17 =	vadd.f32 v29, v17;
	v29 =	vadd.f32 $-5.000129340e-01, v31  }
0x10b: {  	v30 =	vadd.s32 v30, v60;
	v34 =	vshll.u32 v59, $0x7;
	v26 =	vadd.f32 $3.330481350e-01, v26  }
0x10c: {  	v34 =	vor.u32 v0, v34;
	v11 =	vadd.f32 v17, v11;
	v29 =	vmul.f32 v29, v33  }
0x10d: {  	v61 =	vor.u32 $0x3, v34;
	v31 =	vsub.f32 $0.0e+00, v6;
	v26 =	vmul.f32 v26, v35  }
0x10e: {  	v62 =	vor.u32 $0x4, v34;
	v10 =	vsub.f32 v10, v11;
	v29 =	vadd.f32 $1.000003100e+00, v29  }
0x10f: {  	v6 =	vor.u32 $0x1, v34;
	v5 =	vsub.f32 v8, v11;
	v26 =	vadd.f32 $-5.000129340e-01, v26  }
0x110: {  	v8 =	vsub.f32 v9, v11;
	v9 =	vcvt.s32.f32 v30;
	v29 =	vmul.f32 v29, v33  }
0x111: {  	[tilespmem:v13+s17+$0x0] =	vst.idx.msk $0xffff, v3;
	v3 =	vsub.f32 v7, v11;
	v7 =	vsub.f32 $0.0e+00, v11;
	v11 =	vmul.f32 v26, v35  }
0x112: {  	v17 =	vor.u32 $0x2, v34;
	[tilespmem:v14+s17+$0x0] =	vst.idx.msk $0xffff, v31;
	v9 =	vmul.f32 $6.931471820e-01, v9;
	v13 =	vadd.f32 $3.342326950e-08, v29  }
0x113: {  	v14 =	vsel vm0, $0xFFFFFF82, v1;
	[tilespmem:v15+s17+$0x0] =	vst.idx.msk $0xffff, v4;
	v4 =	vshra.s32 v32, $0x17;
	v11 =	vadd.f32 $1.000003100e+00, v11  }
0x114: {  	[tilespmem:v16+s17+$0x0] =	vst.idx.msk $0xffff, v2;
	v2 =	vshll.u32 v12, $0x7;
	v4 =	vadd.s32 v4, v14;
	v9 =	vadd.f32 v13, v9  }
0x115: {  	[tilespmem:v34+s17+$0x0] =	vst.idx.msk $0xffff, v10;
	v2 =	vor.u32 v0, v2;
	v4 =	vcvt.s32.f32 v4;
	v10 =	vmul.f32 v11, v35  }
0x116: {  	v12 =	vmov s23;
	[tilespmem:v6+s17+$0x0] =	vst.idx.msk $0xffff, v5;
	v5 =	vor.u32 $0x1, v2;
	v9 =	vadd.f32 v9, v27  }
0x117: {  	v6 =	vor.u32 $0x2, v2;
	[tilespmem:v17+s17+$0x0] =	vst.idx.msk $0xffff, v7;
	v4 =	vmul.f32 $6.931471820e-01, v4;
	v10 =	vadd.f32 $3.342326950e-08, v10  }
0x118: {  	v12 =	vshll.u32 v12, $0x7;
	v7 =	vor.u32 $0x3, v2;
	[tilespmem:v61+s17+$0x0] =	vst.idx.msk $0xffff, v8;
	v11 =	vsub.f32 v24, v9  }
0x119: {  	v8 =	vor.u32 $0x4, v2;
	[tilespmem:v62+s17+$0x0] =	vst.idx.msk $0xffff, v3;
	v3 =	vsub.f32 v19, v9;
	v4 =	vadd.f32 v10, v4  }
0x11a: {  	[tilespmem:v2+s17+$0x0] =	vst.idx.msk $0xffff, v11;
	v2 =	vsub.f32 $0.0e+00, v9;
	v10 =	vor.u32 v0, v12  }
0x11b: {  	[tilespmem:v5+s17+$0x0] =	vst.idx.msk $0xffff, v3;
	v3 =	vsub.f32 v21, v9;
	v5 =	vor.u32 $0x1, v10;
	v4 =	vadd.f32 v4, v28  }
0x11c: {  	[tilespmem:v6+s17+$0x0] =	vst.idx.msk $0xffff, v2;
	v2 =	vsub.f32 v18, v9;
	v6 =	vor.u32 $0x2, v10  }
0x11d: {  	[tilespmem:v7+s17+$0x0] =	vst.idx.msk $0xffff, v3;
	v3 =	vor.u32 $0x3, v10;
	v7 =	vsub.f32 v25, v4  }
0x11e: {  	[tilespmem:v8+s17+$0x0] =	vst.idx.msk $0xffff, v2;
	v2 =	vor.u32 $0x4, v10;
	v8 =	vsub.f32 v22, v4  }
0x11f: {  	[tilespmem:v10+s17+$0x0] =	vst.idx.msk $0xffff, v7;
	v7 =	vsub.f32 $0.0e+00, v4  }
0x120: {  	[tilespmem:v5+s17+$0x0] =	vst.idx.msk $0xffff, v8;
	v5 =	vsub.f32 v23, v4  }
0x121: {  	v4 =	vsub.f32 v20, v4;
	[tilespmem:v6+s17+$0x0] =	vst.idx.msk $0xffff, v7  }
0x122: {  	[tilespmem:v3+s17+$0x0] =	vst.idx.msk $0xffff, v5  }
0x123: {  	s29 =	simm.s32 $0x100;
	[tilespmem:v2+s17+$0x0] =	vst.idx.msk $0xffff, v4  }
0x124: {  	[hbm4b:s11+s3] =	stream.linear.scatter [tilespmem:s17], [sflag:$0x2], $0x8000, $0x38;
	[tilespmem:$0x11280] =	vst v63  }
0x125: {  	v2 =	vld [tilespmem:s29+$0x200];
	_ =	sdelay $0x4  }
0x126: {  	v3 =	vsub.f32 $2.000000000e+00, v2;
	_ =	sdelay $0x1  }
0x127: {  	v2 =	vmul.f32 v3, v2;
	_ =	sdelay $0x1  }
0x128: {  	v3 =	vand.u32 $0x7FFFFF, v2  }
0x129: {  	v3 =	vor.u32 $0x3F800000, v3  }
0x12a: {  	v4 =	vmul.f32 $5.000000000e-01, v3  }
0x12b: {  	vm0 =	vgt.f32 v3, $1.414213540e+00  }
0x12c: {  	v3 =	vsel vm0, v4, v3  }
0x12d: {  	v4 =	vadd.f32 $-1.000000000e+00, v3;
	_ =	sdelay $0x1  }
0x12e: {  	v3 =	vmul.f32 $1.144843550e-01, v4;
	_ =	sdelay $0x1  }
0x12f: {  	v3 =	vadd.f32 $-1.862769720e-01, v3;
	_ =	sdelay $0x1  }
0x130: {  	v3 =	vmul.f32 v3, v4  }
0x131: {  	v5 =	vld [tilespmem:s29+$0x400]  }
0x132: {  	v3 =	vadd.f32 $2.061178540e-01, v3  }
0x133: {  	v6 =	vld [tilespmem:s29+$0x600]  }
0x134: {  	v3 =	vmul.f32 v3, v4;
	_ =	sdelay $0x1  }
0x135: {  	v7 =	vld [tilespmem:s29+$0x800];
	v5 =	vmul.u32 $0x5, v5;
	v3 =	vadd.f32 $-2.491120990e-01, v3;
	_ =	sdelay $0x1  }
0x136: {  	v8 =	vld [tilespmem:s29+$0x0];
	v5 =	vadd.s32 v6, v5;
	v3 =	vmul.f32 v3, v4  }
0x137: {  	v6 =	vld [tilespmem:s29+$0xA00];
	v5 =	vmul.u32 $0x5, v5  }
0x138: {  	v3 =	vadd.f32 $3.330481350e-01, v3  }
0x139: {  	s30 =	simm.s32 $0x110;
	v5 =	vadd.s32 v7, v5  }
0x13a: {  	v7 =	vld [tilespmem:s30+$0x200];
	v5 =	vmul.u32 $0x5, v5;
	v3 =	vmul.f32 v3, v4  }
0x13b: {  	v9 =	vshll.u32 v8, $0x7  }
0x13c: {  	v5 =	vadd.s32 v6, v5;
	v3 =	vadd.f32 $-5.000129340e-01, v3  }
0x13d: {  	v6 =	vor.u32 $0x1, v9  }
0x13e: {  	v10 =	vor.u32 $0x4, v9;
	v3 =	vmul.f32 v3, v4  }
0x13f: {  	v11 =	vsub.f32 $2.000000000e+00, v7  }
0x140: {  	v2 =	vshra.s32 v2, $0x17;
	v12 =	vsel vm0, $0xFFFFFF82, v1;
	v9 =	vld.idx.msk [tilespmem:v9+s14+$0x0], $0xffff;
	v13 =	vadd.f32 $1.000003100e+00, v3  }
0x141: {  	v2 =	vadd.s32 v2, v12;
	v7 =	vmul.f32 v11, v7;
	v5 =	vld.idx.msk [tilespmem:v5+s15+$0x0], $0xffff  }
0x142: {  	v3 =	vld.idx.msk [tilespmem:v6+s14+$0x0], $0xffff;
	v6 =	vcvt.s32.f32 v2;
	v4 =	vmul.f32 v13, v4  }
0x143: {  	v2 =	vld.idx.msk [tilespmem:v10+s14+$0x0], $0xffff  }
0x144: {  	v10 =	vand.u32 $0x7FFFFF, v7;
	v6 =	vmul.f32 $6.931471820e-01, v6;
	v4 =	vadd.f32 $3.342326950e-08, v4  }
0x145: {  	v10 =	vor.u32 $0x3F800000, v10  }
0x146: {  	vm1 =	veq.s32 v8, $0x0;
	v8 =	vmul.f32 $5.000000000e-01, v10;
	v4 =	vadd.f32 v4, v6  }
0x147: {  	v5 =	vsel vm1, v5, v9;
	vm0 =	vgt.f32 v10, $1.414213540e+00  }
0x148: {  	v6 =	vsel vm0, v8, v10;
	v8 =	vmax.f32 v5, v3;
	v9 =	vmax.f32 v4, v2  }
0x149: {  	v10 =	vadd.f32 $-1.000000000e+00, v6;
	v6 =	vmax.f32 v8, v9  }
0x14a: {  	v6 =	vmax.f32 v6, $0.0e+00  }
0x14b: {  	v9 =	vsub.f32 v5, v6  }
0x14c: {  	v11 =	vsub.f32 v3, v6  }
0x14d: {  	v8 =	vmul.f32 $1.144843550e-01, v10;
	v9 =	vmul.f32 $1.442695020e+00, v9  }
0x14e: {  	v11 =	vmul.f32 $1.442695020e+00, v11  }
0x14f: {  	v8 =	vadd.f32 $-1.862769720e-01, v8;
	v12 =	vsub.f32 $0.0e+00, v6;
	(erf) = vpow2.f32 v9  }
0x150: {  	(erf) = vpow2.f32 v11;
	v11 =	vld [tilespmem:s30+$0x400]  }
0x151: {  	v8 =	vmul.f32 v8, v10;
	v9 =	vmul.f32 $1.442695020e+00, v12;
	v12 =	vsub.f32 v4, v6  }
0x152: {  	v13 =	vsub.f32 v2, v6  }
0x153: {  	v8 =	vadd.f32 $2.061178540e-01, v8;
	v12 =	vmul.f32 $1.442695020e+00, v12;
	(erf) = vpow2.f32 v9  }
0x154: {  	v13 =	vmul.f32 $1.442695020e+00, v13;
	v9 =	vld [tilespmem:s30+$0x600]  }
0x155: {  	v8 =	vmul.f32 v8, v10;
	(erf) = vpow2.f32 v12;
	v11 =	vmul.u32 $0x5, v11;
	_ =	sdelay $0x1  }
0x156: {  	v12 =	vld [tilespmem:s30+$0x800];
	v8 =	vadd.f32 $-2.491120990e-01, v8;
	(erf) = vpow2.f32 v13;
	_ =	sdelay $0x1  }
0x157: {  	v13 =	vld [tilespmem:s30+$0x0];
	v8 =	vmul.f32 v8, v10;
	v9 =	vadd.s32 v9, v11;
	v11 =	vpop (erf)  }
0x158: {  	s31 =	simm.s32 $0x120;
	v14 =	vld [tilespmem:s30+$0xA00];
	v9 =	vmul.u32 $0x5, v9;
	v15 =	vpop (erf)  }
0x159: {  	v16 =	vld [tilespmem:s31+$0x200];
	v8 =	vadd.f32 $3.330481350e-01, v8;
	v11 =	vadd.f32 v15, v11  }
0x15a: {  	v9 =	vadd.s32 v12, v9;
	v12 =	vpop (erf)  }
0x15b: {  	v8 =	vmul.f32 v8, v10;
	v9 =	vmul.u32 $0x5, v9;
	v11 =	vadd.f32 v11, v12  }
0x15c: {  	v15 =	vpop (erf);
	v12 =	vshll.u32 v13, $0x7  }
0x15d: {  	v8 =	vadd.f32 $-5.000129340e-01, v8;
	v9 =	vadd.s32 v14, v9;
	v11 =	vadd.f32 v11, v15  }
0x15e: {  	v14 =	vsub.f32 $2.000000000e+00, v16;
	v17 =	vpop (erf);
	v15 =	vor.u32 $0x1, v12  }
0x15f: {  	v8 =	vmul.f32 v8, v10;
	v18 =	vor.u32 $0x4, v12;
	v17 =	vadd.f32 v11, v17  }
0x160: {  	v7 =	vshra.s32 v7, $0x17;
	v20 =	vmul.f32 v14, v16;
	v11 =	vsel vm0, $0xFFFFFF82, v1  }
0x161: {  	v12 =	vld.idx.msk [tilespmem:v12+s14+$0x0], $0xffff;
	v7 =	vadd.s32 v7, v11;
	v11 =	vadd.f32 $1.000003100e+00, v8;
	v8 =	vand.u32 $0x7FFFFF, v17  }
0x162: {  	v14 =	vld.idx.msk [tilespmem:v9+s15+$0x0], $0xffff;
	v9 =	vcvt.s32.f32 v7;
	v16 =	vor.u32 $0x3F800000, v8  }
0x163: {  	v7 =	vand.u32 $0x7FFFFF, v20;
	v8 =	vld.idx.msk [tilespmem:v15+s14+$0x0], $0xffff;
	v10 =	vmul.f32 v11, v10;
	v11 =	vmul.f32 $5.000000000e-01, v16  }
0x164: {  	v15 =	vor.u32 $0x3F800000, v7;
	v7 =	vld.idx.msk [tilespmem:v18+s14+$0x0], $0xffff;
	vm2 =	vgt.f32 v16, $1.414213540e+00  }
0x165: {  	v9 =	vmul.f32 $6.931471820e-01, v9;
	v10 =	vadd.f32 $3.342326950e-08, v10;
	v11 =	vsel vm2, v11, v16  }
0x166: {  	v16 =	vmul.f32 $5.000000000e-01, v15;
	v23 =	vadd.f32 $-1.000000000e+00, v11  }
0x167: {  	vm0 =	veq.s32 v13, $0x0;
	vm1 =	vgt.f32 v15, $1.414213540e+00;
	v9 =	vadd.f32 v10, v9  }
0x168: {  	v10 =	vsel vm0, v14, v12;
	v11 =	vsel vm1, v16, v15;
	v12 =	vmul.f32 $1.144843550e-01, v23  }
0x169: {  	v13 =	vmax.f32 v10, v8;
	v18 =	vadd.f32 $-1.000000000e+00, v11;
	v11 =	vmax.f32 v9, v7  }
0x16a: {  	s22 =	simm.s32 $0x130;
	v11 =	vmax.f32 v13, v11;
	v13 =	vadd.f32 $-1.862769720e-01, v12  }
0x16b: {  	s21 =	simm.s32 $0x100;
	v27 =	vld [tilespmem:s22+$0x200];
	v14 =	vmul.f32 $1.144843550e-01, v18;
	v12 =	vmax.f32 v11, $0.0e+00  }
0x16c: {  	v15 =	vmov s21;
	v11 =	vsub.f32 v10, v12;
	v13 =	vmul.f32 v13, v23  }
0x16d: {  	v15 =	vshll.u32 v15, $0x7;
	v16 =	vsub.f32 v8, v12;
	v14 =	vadd.f32 $-1.862769720e-01, v14  }
0x16e: {  	v19 =	vmul.f32 $1.442695020e+00, v11;
	v11 =	vor.u32 v0, v15;
	v13 =	vadd.f32 $2.061178540e-01, v13  }
0x16f: {  	v22 =	vld [tilespmem:s31+$0x0];
	v15 =	vmul.f32 $1.442695020e+00, v16;
	v16 =	vsub.f32 $0.0e+00, v12;
	v14 =	vmul.f32 v14, v18  }
0x170: {  	v21 =	vld [tilespmem:s31+$0x400];
	v29 =	vsub.f32 $2.000000000e+00, v27;
	(erf) = vpow2.f32 v19;
	v19 =	vmul.f32 v13, v23  }
0x171: {  	v24 =	vsub.f32 v9, v12;
	v16 =	vmul.f32 $1.442695020e+00, v16;
	(erf) = vpow2.f32 v15  }
0x172: {  	v25 =	vld [tilespmem:s31+$0x600];
	v17 =	vshra.s32 v17, $0x17;
	v26 =	vsub.f32 v7, v12;
	v19 =	vadd.f32 $-2.491120990e-01, v19  }
0x173: {  	v24 =	vmul.f32 $1.442695020e+00, v24;
	v15 =	vadd.f32 $2.061178540e-01, v14;
	(erf) = vpow2.f32 v16  }
0x174: {  	vm0 =	veq.s32 v22, $0x0;
	v26 =	vmul.f32 $1.442695020e+00, v26;
	v16 =	vmul.f32 v19, v23  }
0x175: {  	v28 =	vmul.f32 v15, v18;
	(erf) = vpow2.f32 v24;
	v19 =	vmul.u32 $0x5, v21;
	v21 =	vld [tilespmem:s31+$0x800]  }
0x176: {  	v13 =	vor.u32 $0x1, v11;
	v14 =	vor.u32 $0x2, v11;
	v24 =	vadd.f32 $3.330481350e-01, v16  }
0x177: {  	(erf) = vpow2.f32 v26;
	v19 =	vadd.s32 v25, v19;
	v25 =	vadd.f32 $-2.491120990e-01, v28  }
0x178: {  	v15 =	vor.u32 $0x3, v11;
	v19 =	vmul.u32 $0x5, v19;
	v24 =	vmul.f32 v24, v23  }
0x179: {  	v26 =	vld [tilespmem:s31+$0xA00];
	v16 =	vor.u32 $0x4, v11;
	v28 =	vshll.u32 v22, $0x7;
	v25 =	vmul.f32 v25, v18;
	v30 =	vpop (erf)  }
0x17a: {  	v22 =	vor.u32 $0x1, v28;
	v19 =	vadd.s32 v21, v19;
	v31 =	vpop (erf);
	v24 =	vadd.f32 $-5.000129340e-01, v24  }
0x17b: {  	v63 =	vmul.u32 $0x5, v19;
	v25 =	vadd.f32 $3.330481350e-01, v25;
	v30 =	vadd.f32 v31, v30  }
0x17c: {  	v19 =	vmul.f32 v29, v27;
	v31 =	vshra.s32 v20, $0x17;
	v20 =	vpop (erf);
	v24 =	vmul.f32 v24, v23  }
0x17d: {  	v29 =	vsel vm2, $0xFFFFFF82, v1;
	v25 =	vmul.f32 v25, v18;
	v20 =	vadd.f32 v30, v20  }
0x17e: {  	v21 =	vor.u32 $0x4, v28;
	v27 =	vpop (erf);
	v26 =	vadd.s32 v26, v63;
	v24 =	vadd.f32 $1.000003100e+00, v24  }
0x17f: {  	v17 =	vadd.s32 v17, v29;
	v25 =	vadd.f32 $-5.000129340e-01, v25;
	v27 =	vadd.f32 v20, v27  }
0x180: {  	v30 =	vcvt.s32.f32 v17;
	v29 =	vpop (erf);
	v20 =	vand.u32 $0x7FFFFF, v19;
	v24 =	vmul.f32 v24, v23  }
0x181: {  	v20 =	vor.u32 $0x3F800000, v20;
	v25 =	vmul.f32 v25, v18;
	v17 =	vadd.f32 v27, v29  }
0x182: {  	v23 =	vld.idx.msk [tilespmem:v28+s14+$0x0], $0xffff;
	v28 =	vsel vm1, $0xFFFFFF82, v1;
	v29 =	vmul.f32 $6.931471820e-01, v30;
	v27 =	vadd.f32 $3.342326950e-08, v24  }
0x183: {  	s23 =	simm.s32 $0x500;
	v24 =	vld.idx.msk [tilespmem:v26+s15+$0x0], $0xffff;
	v26 =	vadd.s32 v31, v28;
	v25 =	vadd.f32 $1.000003100e+00, v25;
	v30 =	vand.u32 $0x7FFFFF, v17  }
.LBB2_4:
0x184: {  	p0 =	sne.s32 s23, $0x7C0;
	v22 =	vld.idx.msk [tilespmem:v22+s14+$0x0], $0xffff;
	v26 =	vcvt.s32.f32 v26;
	v28 =	vor.u32 $0x3F800000, v30;
	v27 =	vadd.f32 v27, v29  }
0x185: {  	vm1 =	vgt.f32 v20, $1.414213540e+00;
	v21 =	vld.idx.msk [tilespmem:v21+s14+$0x0], $0xffff;
	v18 =	vmul.f32 v25, v18;
	v25 =	vmul.f32 $5.000000000e-01, v28  }
0x186: {  	v29 =	vmul.f32 $5.000000000e-01, v20;
	vm2 =	vgt.f32 v28, $1.414213540e+00;
	v27 =	vadd.f32 v27, v6;
	v6 =	vmovc v12  }
0x187: {  	v12 =	vadd.f32 $3.342326950e-08, v18;
	v18 =	vmul.f32 $6.931471820e-01, v26;
	v25 =	vsel vm2, v25, v28  }
0x188: {  	v26 =	vsel vm1, v29, v20;
	v20 =	vadd.f32 $-1.000000000e+00, v25;
	v25 =	vsub.f32 v5, v27;
	v5 =	vmovc v10  }
0x189: {  	v10 =	vsel vm0, v24, v23;
	v23 =	vadd.f32 v12, v18;
	v12 =	vsub.f32 v3, v27;
	v3 =	vmovc v8  }
0x18a: {  	v24 =	vmax.f32 v10, v22;
	v8 =	vmovc v22;
	v28 =	vmul.f32 $1.144843550e-01, v20;
	[tilespmem:v11+s17+$0x0] =	vst.idx.msk $0xffff, v25;
	v11 =	vsub.f32 $0.0e+00, v27  }
0x18b: {  	v18 =	vadd.f32 $-1.000000000e+00, v26;
	v25 =	vsub.f32 v4, v27;
	v22 =	vmax.f32 v23, v21;
	[tilespmem:v13+s17+$0x0] =	vst.idx.msk $0xffff, v12  }
0x18c: {  	v12 =	vmax.f32 v24, v22;
	v13 =	vadd.f32 $-1.862769720e-01, v28;
	[tilespmem:v14+s17+$0x0] =	vst.idx.msk $0xffff, v11;
	v11 =	vsub.f32 v2, v27  }
0x18d: {  	s21 =	sadd.s32 $0x10, s21;
	v4 =	vmovc v9;
	v14 =	vmul.f32 $1.144843550e-01, v18;
	v2 =	vmovc v7;
	v7 =	vmov v21;
	v12 =	vmax.f32 v12, $0.0e+00;
	[tilespmem:v15+s17+$0x0] =	vst.idx.msk $0xffff, v25  }
0x18e: {  	v9 =	vmovc v23;
	v21 =	vmov s21;
	v15 =	vsub.f32 v10, v12;
	v13 =	vmul.f32 v13, v20;
	[tilespmem:v16+s17+$0x0] =	vst.idx.msk $0xffff, v11  }
0x18f: {  	v14 =	vadd.f32 $-1.862769720e-01, v14;
	v16 =	vsub.f32 v8, v12;
	v11 =	vshll.u32 v21, $0x7  }
0x190: {  	v11 =	vor.u32 v0, v11;
	v15 =	vmul.f32 $1.442695020e+00, v15;
	v13 =	vadd.f32 $2.061178540e-01, v13  }
0x191: {  	v21 =	vsub.f32 $0.0e+00, v12;
	v14 =	vmul.f32 v14, v18;
	v16 =	vmul.f32 $1.442695020e+00, v16  }
0x192: {  	v22 =	vld [tilespmem:s22+$0x400];
	(erf) = vpow2.f32 v15;
	v15 =	vmul.f32 v13, v20;
	v13 =	vor.u32 $0x1, v11  }
0x193: {  	v24 =	vsub.f32 v9, v12;
	v21 =	vmul.f32 $1.442695020e+00, v21;
	v23 =	vld [tilespmem:s22+$0x0];
	(erf) = vpow2.f32 v16  }
0x194: {  	v16 =	vadd.f32 $2.061178540e-01, v14;
	v14 =	vor.u32 $0x2, v11;
	v25 =	vld [tilespmem:s22+$0x600];
	v15 =	vadd.f32 $-2.491120990e-01, v15  }
0x195: {  	s24 =	sshra.s32 s23, $0x2;
	v26 =	vsub.f32 v7, v12;
	v24 =	vmul.f32 $1.442695020e+00, v24;
	(erf) = vpow2.f32 v21  }
0x196: {  	v21 =	vmul.f32 v16, v18;
	v27 =	vld [tilespmem:s24+$0x200];
	v16 =	vmul.f32 v15, v20;
	v15 =	vor.u32 $0x3, v11  }
0x197: {  	v26 =	vmul.f32 $1.442695020e+00, v26;
	v22 =	vmul.u32 $0x5, v22;
	v28 =	vld [tilespmem:s22+$0x800];
	(erf) = vpow2.f32 v24  }
0x198: {  	vm0 =	veq.s32 v23, $0x0;
	v24 =	vadd.f32 $3.330481350e-01, v16;
	v16 =	vor.u32 $0x4, v11  }
0x199: {  	v21 =	vadd.f32 $-2.491120990e-01, v21;
	v22 =	vadd.s32 v25, v22;
	(erf) = vpow2.f32 v26  }
0x19a: {  	v23 =	vshll.u32 v23, $0x7;
	v25 =	vmul.u32 $0x5, v22;
	v26 =	vld [tilespmem:s22+$0xA00];
	v24 =	vmul.f32 v24, v20;
	s22 =	smov.u32 s24  }
0x19b: {  	v30 =	vmul.f32 v21, v18;
	v22 =	vor.u32 $0x1, v23;
	v29 =	vsub.f32 $2.000000000e+00, v27;
	v31 =	vpop (erf)  }
0x19c: {  	v21 =	vor.u32 $0x4, v23;
	v25 =	vadd.s32 v28, v25;
	v28 =	vpop (erf);
	v24 =	vadd.f32 $-5.000129340e-01, v24  }
0x19d: {  	v30 =	vadd.f32 $3.330481350e-01, v30;
	v25 =	vmul.u32 $0x5, v25;
	v32 =	vadd.f32 v28, v31  }
0x19e: {  	v31 =	vshra.s32 v19, $0x17;
	v19 =	vmul.f32 v29, v27;
	v27 =	vpop (erf);
	v24 =	vmul.f32 v24, v20  }
0x19f: {  	v25 =	vadd.s32 v26, v25;
	v26 =	vmul.f32 v30, v18;
	v27 =	vadd.f32 v32, v27  }
0x1a0: {  	v17 =	vshra.s32 v17, $0x17;
	v30 =	vsel vm2, $0xFFFFFF82, v1;
	v28 =	vpop (erf);
	v24 =	vadd.f32 $1.000003100e+00, v24  }
.Ltmp1:
0x1a1: {  	v17 =	vadd.s32 v17, v30;
	v26 =	vadd.f32 $-5.000129340e-01, v26;
	v27 =	vadd.f32 v27, v28;
	(pc) =	sbr.rel @p0 .LBB2_4-.Ltmp1, $4  }
0x1a2: {  	v28 =	vand.u32 $0x7FFFFF, v19;
	v30 =	vcvt.s32.f32 v17;
	v29 =	vpop (erf);
	v24 =	vmul.f32 v24, v20  }
0x1a3: {  	v20 =	vor.u32 $0x3F800000, v28;
	v28 =	vmul.f32 v26, v18;
	v17 =	vadd.f32 v27, v29  }
0x1a4: {  	v26 =	vsel vm1, $0xFFFFFF82, v1;
	v29 =	vmul.f32 $6.931471820e-01, v30;
	v23 =	vld.idx.msk [tilespmem:v23+s14+$0x0], $0xffff;
	v27 =	vadd.f32 $3.342326950e-08, v24  }
0x1a5: {  	s23 =	sadd.s32 $0x40, s23;
	v26 =	vadd.s32 v31, v26;
	v24 =	vld.idx.msk [tilespmem:v25+s15+$0x0], $0xffff;
	v25 =	vadd.f32 $1.000003100e+00, v28;
	v30 =	vand.u32 $0x7FFFFF, v17  }
0x1a6: {  	v28 =	vmul.f32 $5.000000000e-01, v20  }
0x1a7: {  	vm1 =	vgt.f32 v20, $1.414213540e+00  }
0x1a8: {  	v20 =	vsel vm1, v28, v20  }
0x1a9: {  	v28 =	vadd.f32 $-1.000000000e+00, v20;
	_ =	sdelay $0x1  }
0x1aa: {  	v20 =	vmul.f32 $1.144843550e-01, v28;
	_ =	sdelay $0x1  }
0x1ab: {  	v20 =	vadd.f32 $-1.862769720e-01, v20;
	_ =	sdelay $0x1  }
0x1ac: {  	v20 =	vmul.f32 v20, v28;
	_ =	sdelay $0x1  }
0x1ad: {  	v31 =	vld [tilespmem:s22+$0x400];
	v20 =	vadd.f32 $2.061178540e-01, v20;
	_ =	sdelay $0x1  }
0x1ae: {  	v32 =	vld [tilespmem:s22+$0x600];
	v20 =	vmul.f32 v20, v28;
	_ =	sdelay $0x1  }
0x1af: {  	v20 =	vadd.f32 $-2.491120990e-01, v20  }
0x1b0: {  	v33 =	vld [tilespmem:s22+$0x800];
	v31 =	vmul.u32 $0x5, v31  }
0x1b1: {  	v34 =	vld [tilespmem:s22+$0x0];
	v20 =	vmul.f32 v20, v28  }
0x1b2: {  	v31 =	vadd.s32 v32, v31  }
0x1b3: {  	v63 =	vld [tilespmem:s22+$0xA00];
	v31 =	vmul.u32 $0x5, v31;
	v35 =	vadd.f32 $3.330481350e-01, v20;
	_ =	sdelay $0x1  }
0x1b4: {  	v37 =	vadd.s32 v33, v31;
	v39 =	vmul.f32 v35, v28  }
0x1b5: {  	v25 =	vmul.f32 v25, v18;
	v40 =	vshll.u32 v34, $0x7;
	v38 =	vmul.u32 $0x5, v37  }
0x1b6: {  	v36 =	vcvt.s32.f32 v26;
	v18 =	vld.idx.msk [tilespmem:v21+s14+$0x0], $0xffff;
	v42 =	vor.u32 $0x4, v40;
	v26 =	vadd.f32 $-5.000129340e-01, v39  }
0x1b7: {  	v25 =	vadd.f32 $3.342326950e-08, v25;
	v32 =	vadd.s32 v63, v38;
	v20 =	vld.idx.msk [tilespmem:v22+s14+$0x0], $0xffff  }
0x1b8: {  	v41 =	vor.u32 $0x1, v40;
	v22 =	vmul.f32 $6.931471820e-01, v36;
	v43 =	vmul.f32 v26, v28  }
0x1b9: {  	v19 =	vshra.s32 v19, $0x17;
	v46 =	vsel vm1, $0xFFFFFF82, v1  }
0x1ba: {  	v19 =	vadd.s32 v19, v46;
	v31 =	vld.idx.msk [tilespmem:v40+s14+$0x0], $0xffff;
	v21 =	vadd.f32 v25, v22;
	v25 =	vadd.f32 $1.000003100e+00, v43  }
0x1bb: {  	v47 =	vcvt.s32.f32 v19;
	v24 =	vsel vm0, v24, v23;
	v19 =	vld.idx.msk [tilespmem:v42+s14+$0x0], $0xffff  }
0x1bc: {  	v32 =	vld.idx.msk [tilespmem:v32+s15+$0x0], $0xffff;
	v45 =	vmax.f32 v21, v18;
	v44 =	vmax.f32 v24, v20;
	v25 =	vmul.f32 v25, v28  }
0x1bd: {  	v22 =	vld.idx.msk [tilespmem:v41+s14+$0x0], $0xffff;
	v26 =	vmax.f32 v44, v45  }
0x1be: {  	v50 =	vmul.f32 $6.931471820e-01, v47;
	v26 =	vmax.f32 v26, $0.0e+00;
	v49 =	vadd.f32 $3.342326950e-08, v25  }
0x1bf: {  	v48 =	vsub.f32 v24, v26  }
0x1c0: {  	vm13 =	veq.s32 v34, $0x0;
	v51 =	vsub.f32 v20, v26;
	v23 =	vadd.f32 v49, v50  }
0x1c1: {  	v52 =	vsub.f32 $0.0e+00, v26;
	v28 =	vmul.f32 $1.442695020e+00, v48;
	v25 =	vsel vm13, v32, v31  }
0x1c2: {  	v56 =	vsub.f32 v21, v26;
	v54 =	vmax.f32 v25, v22;
	v55 =	vmax.f32 v23, v19  }
0x1c3: {  	v33 =	vmul.f32 $1.442695020e+00, v51;
	(erf) = vpow2.f32 v28;
	v28 =	vmax.f32 v54, v55  }
0x1c4: {  	v57 =	vsub.f32 v18, v26;
	v53 =	vmul.f32 $1.442695020e+00, v52;
	v28 =	vmax.f32 v28, $0.0e+00  }
0x1c5: {  	v58 =	vmul.f32 $1.442695020e+00, v56;
	(erf) = vpow2.f32 v33;
	v59 =	vsub.f32 v25, v28  }
0x1c6: {  	v32 =	vmul.f32 $1.442695020e+00, v57;
	(erf) = vpow2.f32 v53;
	v60 =	vsub.f32 v22, v28  }
0x1c7: {  	(erf) = vpow2.f32 v58;
	v31 =	vmul.f32 $1.442695020e+00, v59  }
0x1c8: {  	(erf) = vpow2.f32 v32;
	v62 =	vsub.f32 $0.0e+00, v28;
	v61 =	vmul.f32 $1.442695020e+00, v60  }
0x1c9: {  	(erf) = vpow2.f32 v31  }
0x1ca: {  	v36 =	vsub.f32 v23, v28;
	v63 =	vmul.f32 $1.442695020e+00, v62;
	(erf) = vpow2.f32 v61;
	_ =	sdelay $0x1  }
0x1cb: {  	v39 =	vsub.f32 v19, v28;
	v37 =	vpop (erf);
	v33 =	vmul.f32 $1.442695020e+00, v36;
	(erf) = vpow2.f32 v63;
	_ =	sdelay $0x1  }
0x1cc: {  	v35 =	vmul.f32 $1.442695020e+00, v39;
	v38 =	vpop (erf);
	(erf) = vpow2.f32 v33  }
0x1cd: {  	v30 =	vor.u32 $0x3F800000, v30;
	v32 =	vadd.f32 v38, v37;
	v41 =	vpop (erf)  }
0x1ce: {  	v40 =	vmul.f32 $5.000000000e-01, v30;
	v43 =	vpop (erf);
	(erf) = vpow2.f32 v35  }
0x1cf: {  	vm2 =	vgt.f32 v30, $1.414213540e+00;
	v42 =	vadd.f32 v32, v41;
	v44 =	vpop (erf)  }
0x1d0: {  	v30 =	vsel vm2, v40, v30;
	v46 =	vpop (erf)  }
0x1d1: {  	v30 =	vadd.f32 $-1.000000000e+00, v30;
	v31 =	vadd.f32 v42, v43;
	v47 =	vpop (erf)  }
0x1d2: {  	v33 =	vadd.f32 v47, v46  }
0x1d3: {  	v45 =	vmul.f32 $1.144843550e-01, v30;
	v31 =	vadd.f32 v31, v44;
	v49 =	vpop (erf)  }
0x1d4: {  	v33 =	vadd.f32 v33, v49  }
0x1d5: {  	v32 =	vadd.f32 $-1.862769720e-01, v45;
	v48 =	vand.u32 $0x7FFFFF, v31;
	v36 =	vpop (erf)  }
0x1d6: {  	v34 =	vor.u32 $0x3F800000, v48;
	v33 =	vadd.f32 v33, v36  }
0x1d7: {  	v32 =	vmul.f32 v32, v30;
	v50 =	vmul.f32 $5.000000000e-01, v34;
	v51 =	vpop (erf)  }
0x1d8: {  	vm14 =	vgt.f32 v34, $1.414213540e+00;
	v33 =	vadd.f32 v33, v51  }
0x1d9: {  	v32 =	vadd.f32 $2.061178540e-01, v32;
	v34 =	vsel vm14, v50, v34  }
0x1da: {  	v34 =	vadd.f32 $-1.000000000e+00, v34;
	v53 =	vand.u32 $0x7FFFFF, v33  }
0x1db: {  	v32 =	vmul.f32 v32, v30;
	v36 =	vor.u32 $0x3F800000, v53  }
0x1dc: {  	v52 =	vmul.f32 $1.144843550e-01, v34;
	v37 =	vmul.f32 $5.000000000e-01, v36  }
0x1dd: {  	vm15 =	vgt.f32 v36, $1.414213540e+00  }
0x1de: {  	v32 =	vadd.f32 $-2.491120990e-01, v32;
	v35 =	vadd.f32 $-1.862769720e-01, v52;
	v36 =	vsel vm15, v37, v36  }
0x1df: {  	v36 =	vadd.f32 $-1.000000000e+00, v36  }
0x1e0: {  	v32 =	vmul.f32 v32, v30;
	v35 =	vmul.f32 v35, v34  }
0x1e1: {  	v27 =	vadd.f32 v27, v29;
	v54 =	vmul.f32 $1.144843550e-01, v36  }
0x1e2: {  	v32 =	vadd.f32 $3.330481350e-01, v32;
	v35 =	vadd.f32 $2.061178540e-01, v35  }
0x1e3: {  	v6 =	vadd.f32 v27, v6;
	v37 =	vadd.f32 $-1.862769720e-01, v54  }
0x1e4: {  	v32 =	vmul.f32 v32, v30;
	v35 =	vmul.f32 v35, v34  }
0x1e5: {  	v5 =	vsub.f32 v5, v6;
	v3 =	vsub.f32 v3, v6;
	v55 =	vmul.f32 v37, v36  }
0x1e6: {  	v17 =	vshra.s32 v17, $0x17;
	v32 =	vadd.f32 $-5.000129340e-01, v32;
	v35 =	vadd.f32 $-2.491120990e-01, v35  }
0x1e7: {  	v4 =	vsub.f32 v4, v6;
	v56 =	vsel vm2, $0xFFFFFF82, v1;
	v57 =	vadd.f32 $2.061178540e-01, v55  }
0x1e8: {  	v17 =	vadd.s32 v17, v56;
	v32 =	vmul.f32 v32, v30;
	v35 =	vmul.f32 v35, v34  }
0x1e9: {  	v2 =	vsub.f32 v2, v6;
	v17 =	vcvt.s32.f32 v17;
	v27 =	vmul.f32 v57, v36  }
0x1ea: {  	v32 =	vadd.f32 $1.000003100e+00, v32;
	v59 =	vadd.f32 $3.330481350e-01, v35  }
0x1eb: {  	s21 =	sadd.s32 $0x10, s21;
	[tilespmem:v11+s17+$0x0] =	vst.idx.msk $0xffff, v5;
	v17 =	vmul.f32 $6.931471820e-01, v17;
	v62 =	vsub.f32 $0.0e+00, v6;
	v27 =	vadd.f32 $-2.491120990e-01, v27  }
0x1ec: {  	[tilespmem:v13+s17+$0x0] =	vst.idx.msk $0xffff, v3;
	v60 =	vmov s21;
	v58 =	vmul.f32 v32, v30;
	v30 =	vmul.f32 v59, v34  }
0x1ed: {  	s21 =	sadd.s32 $0x10, s21;
	[tilespmem:v14+s17+$0x0] =	vst.idx.msk $0xffff, v62;
	v31 =	vshra.s32 v31, $0x17;
	v38 =	vsel vm14, $0xFFFFFF82, v1;
	v27 =	vmul.f32 v27, v36  }
0x1ee: {  	[tilespmem:v15+s17+$0x0] =	vst.idx.msk $0xffff, v4;
	v46 =	vmov s21;
	v29 =	vadd.f32 $3.342326950e-08, v58;
	v61 =	vadd.f32 $-5.000129340e-01, v30  }
0x1ef: {  	[tilespmem:v16+s17+$0x0] =	vst.idx.msk $0xffff, v2;
	s21 =	sadd.s32 $0x10, s21;
	v31 =	vadd.s32 v31, v38;
	v2 =	vshll.u32 v46, $0x7;
	v27 =	vadd.f32 $3.330481350e-01, v27  }
0x1f0: {  	v56 =	vmov s21;
	v17 =	vadd.f32 v29, v17;
	v29 =	vmul.f32 v61, v34  }
0x1f1: {  	v43 =	vcvt.s32.f32 v31;
	v2 =	vor.u32 v0, v2;
	v27 =	vmul.f32 v27, v36  }
0x1f2: {  	v48 =	vshra.s32 v33, $0x17;
	v49 =	vsel vm15, $0xFFFFFF82, v1;
	v29 =	vadd.f32 $1.000003100e+00, v29  }
0x1f3: {  	v4 =	vadd.s32 v48, v49;
	v32 =	vshll.u32 v60, $0x7;
	v27 =	vadd.f32 $-5.000129340e-01, v27  }
0x1f4: {  	v32 =	vor.u32 v0, v32;
	v12 =	vadd.f32 v17, v12;
	v29 =	vmul.f32 v29, v34  }
0x1f5: {  	v63 =	vor.u32 $0x1, v32;
	v37 =	vor.u32 $0x2, v32;
	v45 =	vmul.f32 v27, v36  }
0x1f6: {  	v42 =	vsub.f32 v9, v12;
	v9 =	vmul.f32 $6.931471820e-01, v43;
	v47 =	vadd.f32 $3.342326950e-08, v29  }
0x1f7: {  	v39 =	vor.u32 $0x3, v32;
	v10 =	vsub.f32 v10, v12;
	v11 =	vadd.f32 $1.000003100e+00, v45  }
0x1f8: {  	v40 =	vor.u32 $0x4, v32;
	v41 =	vsub.f32 v8, v12;
	v9 =	vadd.f32 v47, v9  }
0x1f9: {  	v4 =	vcvt.s32.f32 v4;
	v44 =	vsub.f32 $0.0e+00, v12;
	[tilespmem:v32+s17+$0x0] =	vst.idx.msk $0xffff, v10;
	v50 =	vmul.f32 v11, v36  }
0x1fa: {  	v51 =	vor.u32 $0x1, v2;
	v52 =	vor.u32 $0x2, v2;
	[tilespmem:v63+s17+$0x0] =	vst.idx.msk $0xffff, v41;
	v9 =	vadd.f32 v9, v26  }
0x1fb: {  	v4 =	vmul.f32 $6.931471820e-01, v4;
	v3 =	vsub.f32 v7, v12;
	[tilespmem:v37+s17+$0x0] =	vst.idx.msk $0xffff, v44;
	v10 =	vadd.f32 $3.342326950e-08, v50  }
0x1fc: {  	v53 =	vor.u32 $0x3, v2;
	v54 =	vor.u32 $0x4, v2;
	[tilespmem:v39+s17+$0x0] =	vst.idx.msk $0xffff, v42;
	v55 =	vsub.f32 v24, v9  }
0x1fd: {  	v12 =	vshll.u32 v56, $0x7;
	[tilespmem:v40+s17+$0x0] =	vst.idx.msk $0xffff, v3;
	v3 =	vsub.f32 v20, v9;
	v4 =	vadd.f32 v10, v4  }
0x1fe: {  	v57 =	vor.u32 v0, v12;
	[tilespmem:v2+s17+$0x0] =	vst.idx.msk $0xffff, v55;
	v2 =	vsub.f32 $0.0e+00, v9  }
0x1ff: {  	v58 =	vor.u32 $0x1, v57;
	[tilespmem:v51+s17+$0x0] =	vst.idx.msk $0xffff, v3;
	v3 =	vsub.f32 v21, v9;
	v4 =	vadd.f32 v4, v28  }
0x200: {  	v59 =	vor.u32 $0x2, v57;
	[tilespmem:v52+s17+$0x0] =	vst.idx.msk $0xffff, v2;
	v2 =	vsub.f32 v18, v9  }
0x201: {  	[tilespmem:v53+s17+$0x0] =	vst.idx.msk $0xffff, v3;
	v3 =	vor.u32 $0x3, v57;
	v60 =	vsub.f32 v25, v4  }
0x202: {  	[tilespmem:v54+s17+$0x0] =	vst.idx.msk $0xffff, v2;
	v2 =	vor.u32 $0x4, v57;
	v61 =	vsub.f32 v22, v4  }
0x203: {  	v62 =	vsub.f32 $0.0e+00, v4;
	[tilespmem:v57+s17+$0x0] =	vst.idx.msk $0xffff, v60  }
0x204: {  	v63 =	vsub.f32 v23, v4;
	[tilespmem:v58+s17+$0x0] =	vst.idx.msk $0xffff, v61  }
0x205: {  	v4 =	vsub.f32 v19, v4;
	[tilespmem:v59+s17+$0x0] =	vst.idx.msk $0xffff, v62  }
0x206: {  	[tilespmem:v3+s17+$0x0] =	vst.idx.msk $0xffff, v63  }
0x207: {  	s20 =	sadd.s32 $0x1, s20;
	[tilespmem:v2+s17+$0x0] =	vst.idx.msk $0xffff, v4  }
0x208: {  	[hbm4b:s12+s3] =	stream.linear.scatter [tilespmem:s18], [sflag:$0x2], $0x8000, $0x38;
	[tilespmem:$0x11280] =	vst v63  }
0x209: {  	p0 =	sne.s32 s20, s13;
	_ =	swait.ge [sflag:s19], $0x8000  }
.Ltmp2:
0x20a: {  	[sflag:s19] =	ssyncset.done $0x0;
	(pc) =	sbr.rel @p0 .LBB2_1-.Ltmp2, $4  }
0x20b: {  	[sflag:s19] =	ssyncadd.s32 $0xFFFF8000  }
0x20c: {  	_ =	swait.ge [sflag:s19], $0x8000  }
0x20d: {  	[sflag:s19] =	ssyncset.done $0x0  }
0x20e: {  	[sflag:s19] =	ssyncadd.s32 $0xFFFF8000  }
0x20f: {  	_ =	sfence.sel $0x180000  }
0x210: {  	[bflag:$0x0] =	sbarrier.arrive $0xFFFF  }
0x211: {  	p0 =	sne.s32 s0, $0x0;
	_ =	strace $0x90000047  }
0x212: {  	s0 =	sadd.s32 @!p0 $0x100000, s1;
	[bflag:$0x2] =	sbarrier.arrive $0xFFFF  }
0x213: {  	[sflag:s0] =	ssyncadd.tile.s32 @!p0 $0x1;
	_ =	shalt  }
.Lfunc_end2:
_tile_overlayer_lowered:
.L_overlay_start_2:
0x214: {  	(tag) =	ssettag $0x2  }
0x215: {  	s0 =	rddreg [dreg:$0x0];
	s2 =	stileid.u32  }
0x216: {  	s1 =	rddreg [dreg:$0x1];
	p0 =	sne.s32 s2, $0x0  }
0x217: {  	s3 =	rddreg [dreg:$0x2];
	[bflag:$0x3] =	sbarrier.arrive $0xFFFF;
	s2 =	simm.s32 @!p0 $0x1C03  }
0x218: {  	[timem:s3], [sflag:s2] =	dma.local @!p0 [hbm:s0], s1  }
0x219: {  	s0 =	simm.s32 @!p0 $0x3  }
0x21a: {  	_ =	swait.ge @!p0 [sflag:s0], s1  }
0x21b: {  	s1 =	ssub.s32 @!p0 $0x0, s1;
	[sflag:s0] =	ssyncset.done @!p0 $0x0  }
0x21c: {  	[sflag:s0] =	ssyncadd.s32 @!p0 s1  }
0x21d: {  	[bflag:$0x3] =	sbarrier.arrive $0xFFFF  }
0x21e: {  	_ =	shalt  }

</sc_bundles>
